<compile_context>
chip_gen: v7x
topology: tpu7x:2x2x1
jax: 0.10.2.dev20260603
libtpu: 0.0.44.dev20260713+nightly
codegen_flags: <defaults>
</compile_context>

<pallas_src>
import functools

import jax
import jax.numpy as jnp
from jax import lax
from jax.experimental import pallas as pl
from jax.experimental.pallas import tpu as pltpu
from jax.experimental.pallas import tpu_sc as plsc

_NC = 2
_NS = 16
_NW = _NC * _NS
_CHUNK = 128
_DEGW = 16
_FRAC0 = 0.65


def _ceil_div(a, b):
    return -(-a // b)


def _sc_mesh():
    return plsc.VectorSubcoreMesh(core_axis_name="c", subcore_axis_name="s")


def _make_deg_kernel(n_acc, cpw):
    rows_per_tile = n_acc // _NS
    zc = rows_per_tile // _CHUNK

    @functools.partial(
        pl.kernel,
        mesh=_sc_mesh(),
        out_type=(
            jax.ShapeDtypeStruct((n_acc, _DEGW), jnp.float32),
            jax.ShapeDtypeStruct((n_acc, _DEGW), jnp.float32),
        ),
        scratch_types=[
            pltpu.VMEM((_CHUNK,), jnp.int32),
            pltpu.VMEM((_CHUNK, _DEGW), jnp.float32),
            pltpu.VMEM_SHARED((n_acc, _DEGW), jnp.float32),
        ],
    )
    def deg_kernel(dst_hbm, d0_hbm, d1_hbm, idx_v, ones_v, acc):
        cid = lax.axis_index("c")
        sid = lax.axis_index("s")
        wid = cid * _NS + sid

        def fill(val):
            def body(r, carry):
                ones_v[r, pl.ds(0, _DEGW)] = jnp.full((_DEGW,), val, jnp.float32)
                return carry

            lax.fori_loop(0, _CHUNK, body, 0)

        fill(0.0)
        zrow0 = sid * rows_per_tile
        for z in range(zc):
            pltpu.sync_copy(ones_v, acc.at[pl.ds(zrow0 + z * _CHUNK, _CHUNK)])
        fill(1.0)
        plsc.subcore_barrier()

        def edge_body(g, carry):
            base = (wid * cpw + g) * _CHUNK
            pltpu.sync_copy(dst_hbm.at[pl.ds(base, _CHUNK)], idx_v)
            pltpu.sync_copy(ones_v, acc.at[idx_v], add=True)
            return carry

        lax.fori_loop(0, cpw, edge_body, 0)
        plsc.subcore_barrier()

        @pl.when(cid == 0)
        def _():
            pltpu.sync_copy(
                acc.at[pl.ds(zrow0, rows_per_tile)],
                d0_hbm.at[pl.ds(zrow0, rows_per_tile)],
            )

        @pl.when(cid == 1)
        def _():
            pltpu.sync_copy(
                acc.at[pl.ds(zrow0, rows_per_tile)],
                d1_hbm.at[pl.ds(zrow0, rows_per_tile)],
            )

    return deg_kernel


def _make_agg_kernel(n, d, n_acc, cpw0, cpw1):
    rows_per_tile = n_acc // _NS
    zc = rows_per_tile // _CHUNK

    @functools.partial(
        pl.kernel,
        mesh=_sc_mesh(),
        out_type=(
            jax.ShapeDtypeStruct((n_acc, d), jnp.float32),
            jax.ShapeDtypeStruct((n_acc, d), jnp.float32),
        ),
        scratch_types=[
            pltpu.VMEM((_CHUNK,), jnp.int32),
            pltpu.VMEM((_CHUNK,), jnp.int32),
            pltpu.VMEM((_CHUNK, d), jnp.float32),
            pltpu.VMEM_SHARED((n_acc, d), jnp.float32),
            pltpu.SemaphoreType.DMA,
        ],
    )
    def agg_kernel(hs_hbm, src_hbm, dst_hbm, p0_hbm, p1_hbm, src_v, dst_v, rows_v, acc, sem):
        cid = lax.axis_index("c")
        sid = lax.axis_index("s")

        def zero_body(r, carry):
            for c in range(d // 16):
                rows_v[r, pl.ds(c * 16, 16)] = jnp.zeros((16,), jnp.float32)
            return carry

        lax.fori_loop(0, _CHUNK, zero_body, 0)
        zrow0 = sid * rows_per_tile
        for z in range(zc):
            pltpu.sync_copy(rows_v, acc.at[pl.ds(zrow0 + z * _CHUNK, _CHUNK)])
        plsc.subcore_barrier()

        def make_edge_body(start):
            def edge_body(g, carry):
                base = (start + g) * _CHUNK
                pltpu.sync_copy(src_hbm.at[pl.ds(base, _CHUNK)], src_v)
                pltpu.sync_copy(dst_hbm.at[pl.ds(base, _CHUNK)], dst_v)
                pltpu.async_copy(hs_hbm.at[src_v], rows_v, sem).wait()
                pltpu.sync_copy(rows_v, acc.at[dst_v], add=True)
                return carry

            return edge_body

        @pl.when(cid == 0)
        def _():
            lax.fori_loop(0, cpw0, make_edge_body(sid * cpw0), 0)

        @pl.when(cid == 1)
        def _():
            lax.fori_loop(0, cpw1, make_edge_body(_NS * cpw0 + sid * cpw1), 0)

        plsc.subcore_barrier()

        @pl.when(cid == 0)
        def _():
            pltpu.sync_copy(
                acc.at[pl.ds(zrow0, rows_per_tile)],
                p0_hbm.at[pl.ds(zrow0, rows_per_tile)],
            )

        @pl.when(cid == 1)
        def _():
            pltpu.sync_copy(
                acc.at[pl.ds(zrow0, rows_per_tile)],
                p1_hbm.at[pl.ds(zrow0, rows_per_tile)],
            )

    return agg_kernel


def _pick_bn(n):
    for bn in (1024, 1000, 512, 500, 256, 250, 128, 8):
        if n % bn == 0:
            return bn
    return n


def _tc_hs(x, w, d0, d1):
    n, d = x.shape
    bn = _pick_bn(n)

    def body(x_ref, w_ref, d0_ref, d1_ref, o_ref):
        deg = d0_ref[...][:, :1] + d1_ref[...][:, :1] + 1.0
        dinv = lax.rsqrt(deg)
        o_ref[...] = (
            jnp.dot(x_ref[...], w_ref[...], preferred_element_type=jnp.float32) * dinv
        )

    return pl.pallas_call(
        body,
        grid=(n // bn,),
        in_specs=[
            pl.BlockSpec((bn, d), lambda i: (i, 0)),
            pl.BlockSpec((d, d), lambda i: (0, 0)),
            pl.BlockSpec((bn, _DEGW), lambda i: (i, 0)),
            pl.BlockSpec((bn, _DEGW), lambda i: (i, 0)),
        ],
        out_specs=pl.BlockSpec((bn, d), lambda i: (i, 0)),
        out_shape=jax.ShapeDtypeStruct((n, d), jnp.float32),
    )(x, w, d0, d1)


def _tc_mid(p0, p1, hs1, d0, d1, b1, w2):
    n, d = hs1.shape
    bn = _pick_bn(n)

    def body(p0_ref, p1_ref, hs1_ref, d0_ref, d1_ref, b1_ref, w2_ref, t1_ref, hs2_ref):
        deg = d0_ref[...][:, :1] + d1_ref[...][:, :1] + 1.0
        dinv = lax.rsqrt(deg)
        t1 = jnp.tanh((p0_ref[...] + p1_ref[...] + hs1_ref[...]) * dinv + b1_ref[...])
        t1_ref[...] = t1
        hs2_ref[...] = (
            jnp.dot(t1, w2_ref[...], preferred_element_type=jnp.float32) * dinv
        )

    return pl.pallas_call(
        body,
        grid=(n // bn,),
        in_specs=[
            pl.BlockSpec((bn, d), lambda i: (i, 0)),
            pl.BlockSpec((bn, d), lambda i: (i, 0)),
            pl.BlockSpec((bn, d), lambda i: (i, 0)),
            pl.BlockSpec((bn, _DEGW), lambda i: (i, 0)),
            pl.BlockSpec((bn, _DEGW), lambda i: (i, 0)),
            pl.BlockSpec((1, d), lambda i: (0, 0)),
            pl.BlockSpec((d, d), lambda i: (0, 0)),
        ],
        out_specs=[
            pl.BlockSpec((bn, d), lambda i: (i, 0)),
            pl.BlockSpec((bn, d), lambda i: (i, 0)),
        ],
        out_shape=[
            jax.ShapeDtypeStruct((n, d), jnp.float32),
            jax.ShapeDtypeStruct((n, d), jnp.float32),
        ],
    )(p0, p1, hs1, d0, d1, b1, w2)


def _tc_fin(q0, q1, hs2, d0, d1, b2, t1):
    n, d = hs2.shape
    bn = _pick_bn(n)

    def body(q0_ref, q1_ref, hs2_ref, d0_ref, d1_ref, b2_ref, t1_ref, o_ref):
        deg = d0_ref[...][:, :1] + d1_ref[...][:, :1] + 1.0
        dinv = lax.rsqrt(deg)
        t2 = jnp.tanh((q0_ref[...] + q1_ref[...] + hs2_ref[...]) * dinv + b2_ref[...])
        o_ref[:, 0, :] = t1_ref[...]
        o_ref[:, 1, :] = t2

    return pl.pallas_call(
        body,
        grid=(n // bn,),
        in_specs=[
            pl.BlockSpec((bn, d), lambda i: (i, 0)),
            pl.BlockSpec((bn, d), lambda i: (i, 0)),
            pl.BlockSpec((bn, d), lambda i: (i, 0)),
            pl.BlockSpec((bn, _DEGW), lambda i: (i, 0)),
            pl.BlockSpec((bn, _DEGW), lambda i: (i, 0)),
            pl.BlockSpec((1, d), lambda i: (0, 0)),
            pl.BlockSpec((bn, d), lambda i: (i, 0)),
        ],
        out_specs=pl.BlockSpec((bn, 2, d), lambda i: (i, 0, 0)),
        out_shape=jax.ShapeDtypeStruct((n, 2, d), jnp.float32),
    )(q0, q1, hs2, d0, d1, b2, t1)


def kernel(x, edge_index, W1, b1, W2, b2):
    n, d = x.shape
    e = edge_index.shape[1]
    s_pair = 2 * _ceil_div(_ceil_div(e, _CHUNK), 2 * _NS)
    cpw0 = max(1, min(s_pair - 1, round(s_pair * _FRAC0)))
    cpw1 = s_pair - cpw0
    cpw = s_pair // 2
    e_pad = s_pair * _NS * _CHUNK
    pad = e_pad - e
    src = jnp.concatenate([edge_index[0], jnp.zeros((pad,), edge_index.dtype)])
    dst = jnp.concatenate([edge_index[1], jnp.full((pad,), n, edge_index.dtype)])
    n_acc = _ceil_div(n + 1, _NS * _CHUNK) * _NS * _CHUNK

    d0, d1 = _make_deg_kernel(n_acc, cpw)(dst)
    hs1 = _tc_hs(x, W1, d0, d1)
    agg = _make_agg_kernel(n, d, n_acc, cpw0, cpw1)
    p0, p1 = agg(hs1, src, dst)
    t1, hs2 = _tc_mid(p0, p1, hs1, d0, d1, b1.reshape(1, d), W2)
    q0, q1 = agg(hs2, src, dst)
    return _tc_fin(q0, q1, hs2, d0, d1, b2.reshape(1, d), t1)

# --- scband reference (transcript-rebuilt; emitter-appended) ---
"""Pipeline reference for scband-gnnnet-16492674417057 (READ-ONLY COPY).

The authoritative reference and input builder live on the scoring server;
editing this copy changes nothing except your own understanding.
"""

import jax, jax.numpy as jnp
import numpy as np

N = 10000
D = 128
E = 320000


def setup_inputs(seed: int = 0) -> dict:
    key = jax.random.key(seed)
    ks = jax.random.split(key, 6)
    x = jax.random.normal(ks[0], (N, D), dtype=jnp.float32)
    edge_index = jax.random.randint(ks[1], (2, E), 0, N, dtype=jnp.int32)
    # xavier-uniform init for GCN weights, zeros for bias (PyG default bias init is zeros)
    limit = float(np.sqrt(6.0 / (D + D)))
    W1 = jax.random.uniform(ks[2], (D, D), dtype=jnp.float32, minval=-limit, maxval=limit)
    b1 = jnp.zeros((D,), dtype=jnp.float32)
    W2 = jax.random.uniform(ks[3], (D, D), dtype=jnp.float32, minval=-limit, maxval=limit)
    b2 = jnp.zeros((D,), dtype=jnp.float32)
    return {"x": x, "edge_index": edge_index, "W1": W1, "b1": b1, "W2": W2, "b2": b2}


def _gcn_conv(x, src, dst, W, b, n_nodes):
    # GCNConv with self-loops and symmetric normalization (PyG semantics)
    deg = jnp.zeros((n_nodes,), dtype=x.dtype).at[dst].add(1.0)
    dinv = jnp.where(deg > 0, jax.lax.rsqrt(deg), 0.0)
    norm = dinv[src] * dinv[dst]
    h = x @ W
    msg = h[src] * norm[:, None]
    out = jnp.zeros((n_nodes, h.shape[1]), dtype=x.dtype).at[dst].add(msg)
    return out + b


def reference(x, edge_index, W1, b1, W2, b2):
    n_nodes = x.shape[0]
    loop = jnp.arange(n_nodes, dtype=edge_index.dtype)
    src = jnp.concatenate([edge_index[0], loop])
    dst = jnp.concatenate([edge_index[1], loop])
    # dropout is identity in eval mode
    h1 = jnp.tanh(_gcn_conv(x, src, dst, W1, b1, n_nodes))
    h2 = jnp.tanh(_gcn_conv(h1, src, dst, W2, b2, n_nodes))
    return jnp.stack([h1, h2], axis=1)

if __name__ == "__main__":
    import jax
    _d = setup_inputs()
    print(jax.jit(kernel)(*tuple(_d.values())))

</pallas_src>

<mosaic_0001>
#map = affine_map<(d0, d1) -> (0, 0)>
#map1 = affine_map<(d0, d1) -> (0)>
module attributes {stable_mosaic.version = 14 : i64} {
  func.func @agg_kernel(%arg0: i32, %arg1: i32, %arg2: memref<10000x128xf32, #tpu.memory_space<hbm>>, %arg3: memref<323584xi32, #tpu.memory_space<hbm>>, %arg4: memref<323584xi32, #tpu.memory_space<hbm>>, %arg5: memref<10240x128xf32, #tpu.memory_space<hbm>>, %arg6: memref<10240x128xf32, #tpu.memory_space<hbm>>, %arg7: memref<128xi32, #tpu.memory_space<vmem>>, %arg8: memref<128xi32, #tpu.memory_space<vmem>>, %arg9: memref<128x128xf32, #tpu.memory_space<vmem>>, %arg10: memref<10240x128xf32, #tpu.memory_space<vmem_shared>>, %arg11: memref<!tpu.dma_semaphore, #tpu.memory_space<semaphore_mem>>) attributes {dimension_semantics = [#tpu.dimension_semantics<core_parallel>, #tpu.dimension_semantics<subcore_parallel>], iteration_bounds = array<i64: 2, 16>, scalar_prefetch = 0 : i64, scratch_operands = 5 : i64, tpu.core_type = #tpu.core_type<sc_vector_subcore>, window_params = [{transform_indices = #map}, {transform_indices = #map1}, {transform_indices = #map1}, {transform_indices = #map}, {transform_indices = #map}]} {
    %scan3A = arith.constant 0 : i32
    %scan3A_0 = arith.constant 0 : i32
    %scan3A_1 = arith.constant 128 : i32
    %scan3A_2 = arith.addi %scan3A_0, %scan3A_1 : i32
    %scan3A_3 = arith.constant 1 : i32
    scf.for %scan3A_33 = %scan3A_0 to %scan3A_2 step %scan3A_3  : i32 {
      %broadcast_in_dim3A = arith.constant 0.000000e+00 : f32
      %broadcast_in_dim3A_34 = vector.broadcast %broadcast_in_dim3A : f32 to vector<16xf32>
      %swap3A = arith.index_cast %scan3A_33 : i32 to index
      %swap3A_35 = arith.constant 0 : index
      %swap3A_36 = tpu.vector_load %arg9[%swap3A, %swap3A_35] {strides = array<i32>} : memref<128x128xf32, #tpu.memory_space<vmem>>, vector<1x16xf32>,
      %swap3A_37 = vector.shape_cast %swap3A_36 : vector<1x16xf32> to vector<16xf32>
      %swap3A_38 = vector.shape_cast %broadcast_in_dim3A_34 : vector<16xf32> to vector<1x16xf32>
      tpu.vector_store %arg9[%swap3A, %swap3A_35], %swap3A_38 {strides = array<i32>} : memref<128x128xf32, #tpu.memory_space<vmem>>, vector<1x16xf32>,
      %broadcast_in_dim3A_39 = arith.constant 0.000000e+00 : f32
      %broadcast_in_dim3A_40 = vector.broadcast %broadcast_in_dim3A_39 : f32 to vector<16xf32>
      %swap3A_41 = arith.index_cast %scan3A_33 : i32 to index
      %swap3A_42 = arith.constant 16 : index
      %swap3A_43 = tpu.vector_load %arg9[%swap3A_41, %swap3A_42] {strides = array<i32>} : memref<128x128xf32, #tpu.memory_space<vmem>>, vector<1x16xf32>,
      %swap3A_44 = vector.shape_cast %swap3A_43 : vector<1x16xf32> to vector<16xf32>
      %swap3A_45 = vector.shape_cast %broadcast_in_dim3A_40 : vector<16xf32> to vector<1x16xf32>
      tpu.vector_store %arg9[%swap3A_41, %swap3A_42], %swap3A_45 {strides = array<i32>} : memref<128x128xf32, #tpu.memory_space<vmem>>, vector<1x16xf32>,
      %broadcast_in_dim3A_46 = arith.constant 0.000000e+00 : f32
      %broadcast_in_dim3A_47 = vector.broadcast %broadcast_in_dim3A_46 : f32 to vector<16xf32>
      %swap3A_48 = arith.index_cast %scan3A_33 : i32 to index
      %swap3A_49 = arith.constant 32 : index
      %swap3A_50 = tpu.vector_load %arg9[%swap3A_48, %swap3A_49] {strides = array<i32>} : memref<128x128xf32, #tpu.memory_space<vmem>>, vector<1x16xf32>,
      %swap3A_51 = vector.shape_cast %swap3A_50 : vector<1x16xf32> to vector<16xf32>
      %swap3A_52 = vector.shape_cast %broadcast_in_dim3A_47 : vector<16xf32> to vector<1x16xf32>
      tpu.vector_store %arg9[%swap3A_48, %swap3A_49], %swap3A_52 {strides = array<i32>} : memref<128x128xf32, #tpu.memory_space<vmem>>, vector<1x16xf32>,
      %broadcast_in_dim3A_53 = arith.constant 0.000000e+00 : f32
      %broadcast_in_dim3A_54 = vector.broadcast %broadcast_in_dim3A_53 : f32 to vector<16xf32>
      %swap3A_55 = arith.index_cast %scan3A_33 : i32 to index
      %swap3A_56 = arith.constant 48 : index
      %swap3A_57 = tpu.vector_load %arg9[%swap3A_55, %swap3A_56] {strides = array<i32>} : memref<128x128xf32, #tpu.memory_space<vmem>>, vector<1x16xf32>,
      %swap3A_58 = vector.shape_cast %swap3A_57 : vector<1x16xf32> to vector<16xf32>
      %swap3A_59 = vector.shape_cast %broadcast_in_dim3A_54 : vector<16xf32> to vector<1x16xf32>
      tpu.vector_store %arg9[%swap3A_55, %swap3A_56], %swap3A_59 {strides = array<i32>} : memref<128x128xf32, #tpu.memory_space<vmem>>, vector<1x16xf32>,
      %broadcast_in_dim3A_60 = arith.constant 0.000000e+00 : f32
      %broadcast_in_dim3A_61 = vector.broadcast %broadcast_in_dim3A_60 : f32 to vector<16xf32>
      %swap3A_62 = arith.index_cast %scan3A_33 : i32 to index
      %swap3A_63 = arith.constant 64 : index
      %swap3A_64 = tpu.vector_load %arg9[%swap3A_62, %swap3A_63] {strides = array<i32>} : memref<128x128xf32, #tpu.memory_space<vmem>>, vector<1x16xf32>,
      %swap3A_65 = vector.shape_cast %swap3A_64 : vector<1x16xf32> to vector<16xf32>
      %swap3A_66 = vector.shape_cast %broadcast_in_dim3A_61 : vector<16xf32> to vector<1x16xf32>
      tpu.vector_store %arg9[%swap3A_62, %swap3A_63], %swap3A_66 {strides = array<i32>} : memref<128x128xf32, #tpu.memory_space<vmem>>, vector<1x16xf32>,
      %broadcast_in_dim3A_67 = arith.constant 0.000000e+00 : f32
      %broadcast_in_dim3A_68 = vector.broadcast %broadcast_in_dim3A_67 : f32 to vector<16xf32>
      %swap3A_69 = arith.index_cast %scan3A_33 : i32 to index
      %swap3A_70 = arith.constant 80 : index
      %swap3A_71 = tpu.vector_load %arg9[%swap3A_69, %swap3A_70] {strides = array<i32>} : memref<128x128xf32, #tpu.memory_space<vmem>>, vector<1x16xf32>,
      %swap3A_72 = vector.shape_cast %swap3A_71 : vector<1x16xf32> to vector<16xf32>
      %swap3A_73 = vector.shape_cast %broadcast_in_dim3A_68 : vector<16xf32> to vector<1x16xf32>
      tpu.vector_store %arg9[%swap3A_69, %swap3A_70], %swap3A_73 {strides = array<i32>} : memref<128x128xf32, #tpu.memory_space<vmem>>, vector<1x16xf32>,
      %broadcast_in_dim3A_74 = arith.constant 0.000000e+00 : f32
      %broadcast_in_dim3A_75 = vector.broadcast %broadcast_in_dim3A_74 : f32 to vector<16xf32>
      %swap3A_76 = arith.index_cast %scan3A_33 : i32 to index
      %swap3A_77 = arith.constant 96 : index
      %swap3A_78 = tpu.vector_load %arg9[%swap3A_76, %swap3A_77] {strides = array<i32>} : memref<128x128xf32, #tpu.memory_space<vmem>>, vector<1x16xf32>,
      %swap3A_79 = vector.shape_cast %swap3A_78 : vector<1x16xf32> to vector<16xf32>
      %swap3A_80 = vector.shape_cast %broadcast_in_dim3A_75 : vector<16xf32> to vector<1x16xf32>
      tpu.vector_store %arg9[%swap3A_76, %swap3A_77], %swap3A_80 {strides = array<i32>} : memref<128x128xf32, #tpu.memory_space<vmem>>, vector<1x16xf32>,
      %broadcast_in_dim3A_81 = arith.constant 0.000000e+00 : f32
      %broadcast_in_dim3A_82 = vector.broadcast %broadcast_in_dim3A_81 : f32 to vector<16xf32>
      %swap3A_83 = arith.index_cast %scan3A_33 : i32 to index
      %swap3A_84 = arith.constant 112 : index
      %swap3A_85 = tpu.vector_load %arg9[%swap3A_83, %swap3A_84] {strides = array<i32>} : memref<128x128xf32, #tpu.memory_space<vmem>>, vector<1x16xf32>,
      %swap3A_86 = vector.shape_cast %swap3A_85 : vector<1x16xf32> to vector<16xf32>
      %swap3A_87 = vector.shape_cast %broadcast_in_dim3A_82 : vector<16xf32> to vector<1x16xf32>
      tpu.vector_store %arg9[%swap3A_83, %swap3A_84], %swap3A_87 {strides = array<i32>} : memref<128x128xf32, #tpu.memory_space<vmem>>, vector<1x16xf32>,
    }
    %scan3A_4 = arith.constant 128 : i32
    %mul3A = arith.constant 640 : i32
    %mul3A_5 = arith.muli %arg1, %mul3A : i32
    %add3A = arith.constant 0 : i32
    %add3A_6 = arith.addi %mul3A_5, %add3A : i32
    "tpu.region"() ({
      %run_scoped3A = tpu.sem_alloc : memref<!tpu.dma_semaphore, #tpu.memory_space<semaphore_mem>>
      %dma_start3A = arith.constant 0 : i32
      %dma_start3A_33 = tpu.memref_slice %arg10[%add3A_6, %dma_start3A] : memref<10240x128xf32, #tpu.memory_space<vmem_shared>> -> memref<128x128xf32, #tpu.memory_space<vmem_shared>>
      %dma_start3A_34 = arith.constant 0 : i32
      %dma_start3A_35 = tpu.memref_slice %arg10[%add3A_6, %dma_start3A_34] : memref<10240x128xf32, #tpu.memory_space<vmem_shared>> -> memref<128x128xf32, #tpu.memory_space<vmem_shared>>
      tpu.enqueue_dma source(%arg9 : memref<128x128xf32, #tpu.memory_space<vmem>>) target(%dma_start3A_35 : memref<128x128xf32, #tpu.memory_space<vmem_shared>>) target_semaphore(%run_scoped3A : memref<!tpu.dma_semaphore, #tpu.memory_space<semaphore_mem>>)
      %dma_wait3A = arith.constant 0 : i32
      %dma_wait3A_36 = tpu.memref_slice %arg10[%add3A_6, %dma_wait3A] : memref<10240x128xf32, #tpu.memory_space<vmem_shared>> -> memref<128x128xf32, #tpu.memory_space<vmem_shared>>
      %dma_wait3A_37 = arith.constant 0 : i32
      %dma_wait3A_38 = tpu.memref_slice %arg10[%add3A_6, %dma_wait3A_37] : memref<10240x128xf32, #tpu.memory_space<vmem_shared>> -> memref<128x128xf32, #tpu.memory_space<vmem_shared>>
      tpu.wait_dma2 semaphore(%run_scoped3A : memref<!tpu.dma_semaphore, #tpu.memory_space<semaphore_mem>>) src(%arg9 : memref<128x128xf32, #tpu.memory_space<vmem>>) dst(%dma_wait3A_38 : memref<128x128xf32, #tpu.memory_space<vmem_shared>>)
      tpu.yield
    }) : () -> ()
    %add3A_7 = arith.constant 128 : i32
    %add3A_8 = arith.addi %mul3A_5, %add3A_7 : i32
    "tpu.region"() ({
      %run_scoped3A = tpu.sem_alloc : memref<!tpu.dma_semaphore, #tpu.memory_space<semaphore_mem>>
      %dma_start3A = arith.constant 0 : i32
      %dma_start3A_33 = tpu.memref_slice %arg10[%add3A_8, %dma_start3A] : memref<10240x128xf32, #tpu.memory_space<vmem_shared>> -> memref<128x128xf32, #tpu.memory_space<vmem_shared>>
      %dma_start3A_34 = arith.constant 0 : i32
      %dma_start3A_35 = tpu.memref_slice %arg10[%add3A_8, %dma_start3A_34] : memref<10240x128xf32, #tpu.memory_space<vmem_shared>> -> memref<128x128xf32, #tpu.memory_space<vmem_shared>>
      tpu.enqueue_dma source(%arg9 : memref<128x128xf32, #tpu.memory_space<vmem>>) target(%dma_start3A_35 : memref<128x128xf32, #tpu.memory_space<vmem_shared>>) target_semaphore(%run_scoped3A : memref<!tpu.dma_semaphore, #tpu.memory_space<semaphore_mem>>)
      %dma_wait3A = arith.constant 0 : i32
      %dma_wait3A_36 = tpu.memref_slice %arg10[%add3A_8, %dma_wait3A] : memref<10240x128xf32, #tpu.memory_space<vmem_shared>> -> memref<128x128xf32, #tpu.memory_space<vmem_shared>>
      %dma_wait3A_37 = arith.constant 0 : i32
      %dma_wait3A_38 = tpu.memref_slice %arg10[%add3A_8, %dma_wait3A_37] : memref<10240x128xf32, #tpu.memory_space<vmem_shared>> -> memref<128x128xf32, #tpu.memory_space<vmem_shared>>
      tpu.wait_dma2 semaphore(%run_scoped3A : memref<!tpu.dma_semaphore, #tpu.memory_space<semaphore_mem>>) src(%arg9 : memref<128x128xf32, #tpu.memory_space<vmem>>) dst(%dma_wait3A_38 : memref<128x128xf32, #tpu.memory_space<vmem_shared>>)
      tpu.yield
    }) : () -> ()
    %add3A_9 = arith.constant 256 : i32
    %add3A_10 = arith.addi %mul3A_5, %add3A_9 : i32
    "tpu.region"() ({
      %run_scoped3A = tpu.sem_alloc : memref<!tpu.dma_semaphore, #tpu.memory_space<semaphore_mem>>
      %dma_start3A = arith.constant 0 : i32
      %dma_start3A_33 = tpu.memref_slice %arg10[%add3A_10, %dma_start3A] : memref<10240x128xf32, #tpu.memory_space<vmem_shared>> -> memref<128x128xf32, #tpu.memory_space<vmem_shared>>
      %dma_start3A_34 = arith.constant 0 : i32
      %dma_start3A_35 = tpu.memref_slice %arg10[%add3A_10, %dma_start3A_34] : memref<10240x128xf32, #tpu.memory_space<vmem_shared>> -> memref<128x128xf32, #tpu.memory_space<vmem_shared>>
      tpu.enqueue_dma source(%arg9 : memref<128x128xf32, #tpu.memory_space<vmem>>) target(%dma_start3A_35 : memref<128x128xf32, #tpu.memory_space<vmem_shared>>) target_semaphore(%run_scoped3A : memref<!tpu.dma_semaphore, #tpu.memory_space<semaphore_mem>>)
      %dma_wait3A = arith.constant 0 : i32
      %dma_wait3A_36 = tpu.memref_slice %arg10[%add3A_10, %dma_wait3A] : memref<10240x128xf32, #tpu.memory_space<vmem_shared>> -> memref<128x128xf32, #tpu.memory_space<vmem_shared>>
      %dma_wait3A_37 = arith.constant 0 : i32
      %dma_wait3A_38 = tpu.memref_slice %arg10[%add3A_10, %dma_wait3A_37] : memref<10240x128xf32, #tpu.memory_space<vmem_shared>> -> memref<128x128xf32, #tpu.memory_space<vmem_shared>>
      tpu.wait_dma2 semaphore(%run_scoped3A : memref<!tpu.dma_semaphore, #tpu.memory_space<semaphore_mem>>) src(%arg9 : memref<128x128xf32, #tpu.memory_space<vmem>>) dst(%dma_wait3A_38 : memref<128x128xf32, #tpu.memory_space<vmem_shared>>)
      tpu.yield
    }) : () -> ()
    %add3A_11 = arith.constant 384 : i32
    %add3A_12 = arith.addi %mul3A_5, %add3A_11 : i32
    "tpu.region"() ({
      %run_scoped3A = tpu.sem_alloc : memref<!tpu.dma_semaphore, #tpu.memory_space<semaphore_mem>>
      %dma_start3A = arith.constant 0 : i32
      %dma_start3A_33 = tpu.memref_slice %arg10[%add3A_12, %dma_start3A] : memref<10240x128xf32, #tpu.memory_space<vmem_shared>> -> memref<128x128xf32, #tpu.memory_space<vmem_shared>>
      %dma_start3A_34 = arith.constant 0 : i32
      %dma_start3A_35 = tpu.memref_slice %arg10[%add3A_12, %dma_start3A_34] : memref<10240x128xf32, #tpu.memory_space<vmem_shared>> -> memref<128x128xf32, #tpu.memory_space<vmem_shared>>
      tpu.enqueue_dma source(%arg9 : memref<128x128xf32, #tpu.memory_space<vmem>>) target(%dma_start3A_35 : memref<128x128xf32, #tpu.memory_space<vmem_shared>>) target_semaphore(%run_scoped3A : memref<!tpu.dma_semaphore, #tpu.memory_space<semaphore_mem>>)
      %dma_wait3A = arith.constant 0 : i32
      %dma_wait3A_36 = tpu.memref_slice %arg10[%add3A_12, %dma_wait3A] : memref<10240x128xf32, #tpu.memory_space<vmem_shared>> -> memref<128x128xf32, #tpu.memory_space<vmem_shared>>
      %dma_wait3A_37 = arith.constant 0 : i32
      %dma_wait3A_38 = tpu.memref_slice %arg10[%add3A_12, %dma_wait3A_37] : memref<10240x128xf32, #tpu.memory_space<vmem_shared>> -> memref<128x128xf32, #tpu.memory_space<vmem_shared>>
      tpu.wait_dma2 semaphore(%run_scoped3A : memref<!tpu.dma_semaphore, #tpu.memory_space<semaphore_mem>>) src(%arg9 : memref<128x128xf32, #tpu.memory_space<vmem>>) dst(%dma_wait3A_38 : memref<128x128xf32, #tpu.memory_space<vmem_shared>>)
      tpu.yield
    }) : () -> ()
    %add3A_13 = arith.constant 512 : i32
    %add3A_14 = arith.addi %mul3A_5, %add3A_13 : i32
    "tpu.region"() ({
      %run_scoped3A = tpu.sem_alloc : memref<!tpu.dma_semaphore, #tpu.memory_space<semaphore_mem>>
      %dma_start3A = arith.constant 0 : i32
      %dma_start3A_33 = tpu.memref_slice %arg10[%add3A_14, %dma_start3A] : memref<10240x128xf32, #tpu.memory_space<vmem_shared>> -> memref<128x128xf32, #tpu.memory_space<vmem_shared>>
      %dma_start3A_34 = arith.constant 0 : i32
      %dma_start3A_35 = tpu.memref_slice %arg10[%add3A_14, %dma_start3A_34] : memref<10240x128xf32, #tpu.memory_space<vmem_shared>> -> memref<128x128xf32, #tpu.memory_space<vmem_shared>>
      tpu.enqueue_dma source(%arg9 : memref<128x128xf32, #tpu.memory_space<vmem>>) target(%dma_start3A_35 : memref<128x128xf32, #tpu.memory_space<vmem_shared>>) target_semaphore(%run_scoped3A : memref<!tpu.dma_semaphore, #tpu.memory_space<semaphore_mem>>)
      %dma_wait3A = arith.constant 0 : i32
      %dma_wait3A_36 = tpu.memref_slice %arg10[%add3A_14, %dma_wait3A] : memref<10240x128xf32, #tpu.memory_space<vmem_shared>> -> memref<128x128xf32, #tpu.memory_space<vmem_shared>>
      %dma_wait3A_37 = arith.constant 0 : i32
      %dma_wait3A_38 = tpu.memref_slice %arg10[%add3A_14, %dma_wait3A_37] : memref<10240x128xf32, #tpu.memory_space<vmem_shared>> -> memref<128x128xf32, #tpu.memory_space<vmem_shared>>
      tpu.wait_dma2 semaphore(%run_scoped3A : memref<!tpu.dma_semaphore, #tpu.memory_space<semaphore_mem>>) src(%arg9 : memref<128x128xf32, #tpu.memory_space<vmem>>) dst(%dma_wait3A_38 : memref<128x128xf32, #tpu.memory_space<vmem_shared>>)
      tpu.yield
    }) : () -> ()
    %barrier3A = arith.constant 0 : index
    tpu.barrier barrier_id(%barrier3A)
    %eq3A = arith.constant 0 : i32
    %eq3A_15 = arith.cmpi eq, %arg0, %eq3A : i32
    %convert_element_type3A = arith.extui %eq3A_15 : i1 to i32
    %cond3A = arith.constant 0 : i32
    %cond3A_16 = arith.cmpi ne, %convert_element_type3A, %cond3A : i32
    scf.if %cond3A_16 {
      %mul3A_33 = arith.constant 103 : i32
      %mul3A_34 = arith.muli %arg1, %mul3A_33 : i32
      %scan3A_35 = arith.constant 0 : i32
      %scan3A_36 = arith.constant 0 : i32
      %scan3A_37 = arith.constant 103 : i32
      %scan3A_38 = arith.addi %scan3A_36, %scan3A_37 : i32
      %scan3A_39 = arith.constant 1 : i32
      scf.for %scan3A_41 = %scan3A_36 to %scan3A_38 step %scan3A_39  : i32 {
        %add3A_42 = arith.addi %mul3A_34, %scan3A_41 : i32
        %mul3A_43 = arith.constant 128 : i32
        %mul3A_44 = arith.muli %add3A_42, %mul3A_43 : i32
        "tpu.region"() ({
          %run_scoped3A = tpu.sem_alloc : memref<!tpu.dma_semaphore, #tpu.memory_space<semaphore_mem>>
          %dma_start3A_49 = tpu.memref_slice %arg3[%mul3A_44] : memref<323584xi32, #tpu.memory_space<hbm>> -> memref<128xi32, #tpu.memory_space<hbm>>
          %dma_start3A_50 = tpu.memref_slice %arg3[%mul3A_44] : memref<323584xi32, #tpu.memory_space<hbm>> -> memref<128xi32, #tpu.memory_space<hbm>>
          tpu.enqueue_dma source(%dma_start3A_50 : memref<128xi32, #tpu.memory_space<hbm>>) target(%arg7 : memref<128xi32, #tpu.memory_space<vmem>>) target_semaphore(%run_scoped3A : memref<!tpu.dma_semaphore, #tpu.memory_space<semaphore_mem>>)
          %dma_wait3A_51 = tpu.memref_slice %arg3[%mul3A_44] : memref<323584xi32, #tpu.memory_space<hbm>> -> memref<128xi32, #tpu.memory_space<hbm>>
          %dma_wait3A_52 = tpu.memref_slice %arg3[%mul3A_44] : memref<323584xi32, #tpu.memory_space<hbm>> -> memref<128xi32, #tpu.memory_space<hbm>>
          tpu.wait_dma2 semaphore(%run_scoped3A : memref<!tpu.dma_semaphore, #tpu.memory_space<semaphore_mem>>) src(%dma_wait3A_52 : memref<128xi32, #tpu.memory_space<hbm>>) dst(%arg7 : memref<128xi32, #tpu.memory_space<vmem>>)
          tpu.yield
        }) : () -> ()
        "tpu.region"() ({
          %run_scoped3A = tpu.sem_alloc : memref<!tpu.dma_semaphore, #tpu.memory_space<semaphore_mem>>
          %dma_start3A_49 = tpu.memref_slice %arg4[%mul3A_44] : memref<323584xi32, #tpu.memory_space<hbm>> -> memref<128xi32, #tpu.memory_space<hbm>>
          %dma_start3A_50 = tpu.memref_slice %arg4[%mul3A_44] : memref<323584xi32, #tpu.memory_space<hbm>> -> memref<128xi32, #tpu.memory_space<hbm>>
          tpu.enqueue_dma source(%dma_start3A_50 : memref<128xi32, #tpu.memory_space<hbm>>) target(%arg8 : memref<128xi32, #tpu.memory_space<vmem>>) target_semaphore(%run_scoped3A : memref<!tpu.dma_semaphore, #tpu.memory_space<semaphore_mem>>)
          %dma_wait3A_51 = tpu.memref_slice %arg4[%mul3A_44] : memref<323584xi32, #tpu.memory_space<hbm>> -> memref<128xi32, #tpu.memory_space<hbm>>
          %dma_wait3A_52 = tpu.memref_slice %arg4[%mul3A_44] : memref<323584xi32, #tpu.memory_space<hbm>> -> memref<128xi32, #tpu.memory_space<hbm>>
          tpu.wait_dma2 semaphore(%run_scoped3A : memref<!tpu.dma_semaphore, #tpu.memory_space<semaphore_mem>>) src(%dma_wait3A_52 : memref<128xi32, #tpu.memory_space<hbm>>) dst(%arg8 : memref<128xi32, #tpu.memory_space<vmem>>)
          tpu.yield
        }) : () -> ()
        %dma_start3A = arith.constant 0 : i32
        %dma_start3A_45 = arith.constant 0 : i32
        %dma_start3A_46 = tpu.memref_slice %arg2[%dma_start3A, %dma_start3A_45] : memref<10000x128xf32, #tpu.memory_space<hbm>> -> memref<10000x128xf32, #tpu.memory_space<hbm>>
        tpu.enqueue_indirect_dma source(%dma_start3A_46 : memref<10000x128xf32, #tpu.memory_space<hbm>>) target(%arg9 : memref<128x128xf32, #tpu.memory_space<vmem>>) offsets(%arg7 : memref<128xi32, #tpu.memory_space<vmem>>) semaphore(%arg11 : memref<!tpu.dma_semaphore, #tpu.memory_space<semaphore_mem>>)
        %dma_wait3A = arith.constant 0 : i32
        %dma_wait3A_47 = arith.constant 0 : i32
        %dma_wait3A_48 = tpu.memref_slice %arg2[%dma_wait3A, %dma_wait3A_47] : memref<10000x128xf32, #tpu.memory_space<hbm>> -> memref<10000x128xf32, #tpu.memory_space<hbm>>
        tpu.wait_indirect_dma semaphore(%arg11 : memref<!tpu.dma_semaphore, #tpu.memory_space<semaphore_mem>>) src(%dma_wait3A_48 : memref<10000x128xf32, #tpu.memory_space<hbm>>) dst(%arg9 : memref<128x128xf32, #tpu.memory_space<vmem>>)
        "tpu.region"() ({
          %run_scoped3A = tpu.sem_alloc : memref<!tpu.dma_semaphore, #tpu.memory_space<semaphore_mem>>
          %dma_start3A_49 = arith.constant 0 : i32
          %dma_start3A_50 = arith.constant 0 : i32
          %dma_start3A_51 = tpu.memref_slice %arg10[%dma_start3A_49, %dma_start3A_50] : memref<10240x128xf32, #tpu.memory_space<vmem_shared>> -> memref<10240x128xf32, #tpu.memory_space<vmem_shared>>
          tpu.enqueue_indirect_dma source(%arg9 : memref<128x128xf32, #tpu.memory_space<vmem>>) target(%dma_start3A_51 : memref<10240x128xf32, #tpu.memory_space<vmem_shared>>) offsets(%arg8 : memref<128xi32, #tpu.memory_space<vmem>>) semaphore(%run_scoped3A : memref<!tpu.dma_semaphore, #tpu.memory_space<semaphore_mem>>) {add = true}
          %dma_wait3A_52 = arith.constant 0 : i32
          %dma_wait3A_53 = arith.constant 0 : i32
          %dma_wait3A_54 = tpu.memref_slice %arg10[%dma_wait3A_52, %dma_wait3A_53] : memref<10240x128xf32, #tpu.memory_space<vmem_shared>> -> memref<10240x128xf32, #tpu.memory_space<vmem_shared>>
          tpu.wait_indirect_dma semaphore(%run_scoped3A : memref<!tpu.dma_semaphore, #tpu.memory_space<semaphore_mem>>) src(%arg9 : memref<128x128xf32, #tpu.memory_space<vmem>>) dst(%dma_wait3A_54 : memref<10240x128xf32, #tpu.memory_space<vmem_shared>>)
          tpu.yield
        }) : () -> ()
      }
      %scan3A_40 = arith.constant 103 : i32
    } else {
    }
    %eq3A_17 = arith.constant 1 : i32
    %eq3A_18 = arith.cmpi eq, %arg0, %eq3A_17 : i32
    %convert_element_type3A_19 = arith.extui %eq3A_18 : i1 to i32
    %cond3A_20 = arith.constant 0 : i32
    %cond3A_21 = arith.cmpi ne, %convert_element_type3A_19, %cond3A_20 : i32
    scf.if %cond3A_21 {
      %mul3A_33 = arith.constant 55 : i32
      %mul3A_34 = arith.muli %arg1, %mul3A_33 : i32
      %add3A_35 = arith.constant 1648 : i32
      %add3A_36 = arith.addi %add3A_35, %mul3A_34 : i32
      %scan3A_37 = arith.constant 0 : i32
      %scan3A_38 = arith.constant 0 : i32
      %scan3A_39 = arith.constant 55 : i32
      %scan3A_40 = arith.addi %scan3A_38, %scan3A_39 : i32
      %scan3A_41 = arith.constant 1 : i32
      scf.for %scan3A_43 = %scan3A_38 to %scan3A_40 step %scan3A_41  : i32 {
        %add3A_44 = arith.addi %add3A_36, %scan3A_43 : i32
        %mul3A_45 = arith.constant 128 : i32
        %mul3A_46 = arith.muli %add3A_44, %mul3A_45 : i32
        "tpu.region"() ({
          %run_scoped3A = tpu.sem_alloc : memref<!tpu.dma_semaphore, #tpu.memory_space<semaphore_mem>>
          %dma_start3A_51 = tpu.memref_slice %arg3[%mul3A_46] : memref<323584xi32, #tpu.memory_space<hbm>> -> memref<128xi32, #tpu.memory_space<hbm>>
          %dma_start3A_52 = tpu.memref_slice %arg3[%mul3A_46] : memref<323584xi32, #tpu.memory_space<hbm>> -> memref<128xi32, #tpu.memory_space<hbm>>
          tpu.enqueue_dma source(%dma_start3A_52 : memref<128xi32, #tpu.memory_space<hbm>>) target(%arg7 : memref<128xi32, #tpu.memory_space<vmem>>) target_semaphore(%run_scoped3A : memref<!tpu.dma_semaphore, #tpu.memory_space<semaphore_mem>>)
          %dma_wait3A_53 = tpu.memref_slice %arg3[%mul3A_46] : memref<323584xi32, #tpu.memory_space<hbm>> -> memref<128xi32, #tpu.memory_space<hbm>>
          %dma_wait3A_54 = tpu.memref_slice %arg3[%mul3A_46] : memref<323584xi32, #tpu.memory_space<hbm>> -> memref<128xi32, #tpu.memory_space<hbm>>
          tpu.wait_dma2 semaphore(%run_scoped3A : memref<!tpu.dma_semaphore, #tpu.memory_space<semaphore_mem>>) src(%dma_wait3A_54 : memref<128xi32, #tpu.memory_space<hbm>>) dst(%arg7 : memref<128xi32, #tpu.memory_space<vmem>>)
          tpu.yield
        }) : () -> ()
        "tpu.region"() ({
          %run_scoped3A = tpu.sem_alloc : memref<!tpu.dma_semaphore, #tpu.memory_space<semaphore_mem>>
          %dma_start3A_51 = tpu.memref_slice %arg4[%mul3A_46] : memref<323584xi32, #tpu.memory_space<hbm>> -> memref<128xi32, #tpu.memory_space<hbm>>
          %dma_start3A_52 = tpu.memref_slice %arg4[%mul3A_46] : memref<323584xi32, #tpu.memory_space<hbm>> -> memref<128xi32, #tpu.memory_space<hbm>>
          tpu.enqueue_dma source(%dma_start3A_52 : memref<128xi32, #tpu.memory_space<hbm>>) target(%arg8 : memref<128xi32, #tpu.memory_space<vmem>>) target_semaphore(%run_scoped3A : memref<!tpu.dma_semaphore, #tpu.memory_space<semaphore_mem>>)
          %dma_wait3A_53 = tpu.memref_slice %arg4[%mul3A_46] : memref<323584xi32, #tpu.memory_space<hbm>> -> memref<128xi32, #tpu.memory_space<hbm>>
          %dma_wait3A_54 = tpu.memref_slice %arg4[%mul3A_46] : memref<323584xi32, #tpu.memory_space<hbm>> -> memref<128xi32, #tpu.memory_space<hbm>>
          tpu.wait_dma2 semaphore(%run_scoped3A : memref<!tpu.dma_semaphore, #tpu.memory_space<semaphore_mem>>) src(%dma_wait3A_54 : memref<128xi32, #tpu.memory_space<hbm>>) dst(%arg8 : memref<128xi32, #tpu.memory_space<vmem>>)
          tpu.yield
        }) : () -> ()
        %dma_start3A = arith.constant 0 : i32
        %dma_start3A_47 = arith.constant 0 : i32
        %dma_start3A_48 = tpu.memref_slice %arg2[%dma_start3A, %dma_start3A_47] : memref<10000x128xf32, #tpu.memory_space<hbm>> -> memref<10000x128xf32, #tpu.memory_space<hbm>>
        tpu.enqueue_indirect_dma source(%dma_start3A_48 : memref<10000x128xf32, #tpu.memory_space<hbm>>) target(%arg9 : memref<128x128xf32, #tpu.memory_space<vmem>>) offsets(%arg7 : memref<128xi32, #tpu.memory_space<vmem>>) semaphore(%arg11 : memref<!tpu.dma_semaphore, #tpu.memory_space<semaphore_mem>>)
        %dma_wait3A = arith.constant 0 : i32
        %dma_wait3A_49 = arith.constant 0 : i32
        %dma_wait3A_50 = tpu.memref_slice %arg2[%dma_wait3A, %dma_wait3A_49] : memref<10000x128xf32, #tpu.memory_space<hbm>> -> memref<10000x128xf32, #tpu.memory_space<hbm>>
        tpu.wait_indirect_dma semaphore(%arg11 : memref<!tpu.dma_semaphore, #tpu.memory_space<semaphore_mem>>) src(%dma_wait3A_50 : memref<10000x128xf32, #tpu.memory_space<hbm>>) dst(%arg9 : memref<128x128xf32, #tpu.memory_space<vmem>>)
        "tpu.region"() ({
          %run_scoped3A = tpu.sem_alloc : memref<!tpu.dma_semaphore, #tpu.memory_space<semaphore_mem>>
          %dma_start3A_51 = arith.constant 0 : i32
          %dma_start3A_52 = arith.constant 0 : i32
          %dma_start3A_53 = tpu.memref_slice %arg10[%dma_start3A_51, %dma_start3A_52] : memref<10240x128xf32, #tpu.memory_space<vmem_shared>> -> memref<10240x128xf32, #tpu.memory_space<vmem_shared>>
          tpu.enqueue_indirect_dma source(%arg9 : memref<128x128xf32, #tpu.memory_space<vmem>>) target(%dma_start3A_53 : memref<10240x128xf32, #tpu.memory_space<vmem_shared>>) offsets(%arg8 : memref<128xi32, #tpu.memory_space<vmem>>) semaphore(%run_scoped3A : memref<!tpu.dma_semaphore, #tpu.memory_space<semaphore_mem>>) {add = true}
          %dma_wait3A_54 = arith.constant 0 : i32
          %dma_wait3A_55 = arith.constant 0 : i32
          %dma_wait3A_56 = tpu.memref_slice %arg10[%dma_wait3A_54, %dma_wait3A_55] : memref<10240x128xf32, #tpu.memory_space<vmem_shared>> -> memref<10240x128xf32, #tpu.memory_space<vmem_shared>>
          tpu.wait_indirect_dma semaphore(%run_scoped3A : memref<!tpu.dma_semaphore, #tpu.memory_space<semaphore_mem>>) src(%arg9 : memref<128x128xf32, #tpu.memory_space<vmem>>) dst(%dma_wait3A_56 : memref<10240x128xf32, #tpu.memory_space<vmem_shared>>)
          tpu.yield
        }) : () -> ()
      }
      %scan3A_42 = arith.constant 55 : i32
    } else {
    }
    %barrier3A_22 = arith.constant 0 : index
    tpu.barrier barrier_id(%barrier3A_22)
    %eq3A_23 = arith.constant 0 : i32
    %eq3A_24 = arith.cmpi eq, %arg0, %eq3A_23 : i32
    %convert_element_type3A_25 = arith.extui %eq3A_24 : i1 to i32
    %cond3A_26 = arith.constant 0 : i32
    %cond3A_27 = arith.cmpi ne, %convert_element_type3A_25, %cond3A_26 : i32
    scf.if %cond3A_27 {
      "tpu.region"() ({
        %run_scoped3A = tpu.sem_alloc : memref<!tpu.dma_semaphore, #tpu.memory_space<semaphore_mem>>
        %dma_start3A = arith.constant 0 : i32
        %dma_start3A_33 = tpu.memref_slice %arg5[%mul3A_5, %dma_start3A] : memref<10240x128xf32, #tpu.memory_space<hbm>> -> memref<640x128xf32, #tpu.memory_space<hbm>>
        %dma_start3A_34 = arith.constant 0 : i32
        %dma_start3A_35 = tpu.memref_slice %arg10[%mul3A_5, %dma_start3A_34] : memref<10240x128xf32, #tpu.memory_space<vmem_shared>> -> memref<640x128xf32, #tpu.memory_space<vmem_shared>>
        tpu.enqueue_dma source(%dma_start3A_35 : memref<640x128xf32, #tpu.memory_space<vmem_shared>>) target(%dma_start3A_33 : memref<640x128xf32, #tpu.memory_space<hbm>>) target_semaphore(%run_scoped3A : memref<!tpu.dma_semaphore, #tpu.memory_space<semaphore_mem>>)
        %dma_wait3A = arith.constant 0 : i32
        %dma_wait3A_36 = tpu.memref_slice %arg5[%mul3A_5, %dma_wait3A] : memref<10240x128xf32, #tpu.memory_space<hbm>> -> memref<640x128xf32, #tpu.memory_space<hbm>>
        %dma_wait3A_37 = arith.constant 0 : i32
        %dma_wait3A_38 = tpu.memref_slice %arg10[%mul3A_5, %dma_wait3A_37] : memref<10240x128xf32, #tpu.memory_space<vmem_shared>> -> memref<640x128xf32, #tpu.memory_space<vmem_shared>>
        tpu.wait_dma2 semaphore(%run_scoped3A : memref<!tpu.dma_semaphore, #tpu.memory_space<semaphore_mem>>) src(%dma_wait3A_38 : memref<640x128xf32, #tpu.memory_space<vmem_shared>>) dst(%dma_wait3A_36 : memref<640x128xf32, #tpu.memory_space<hbm>>)
        tpu.yield
      }) : () -> ()
    } else {
    }
    %eq3A_28 = arith.constant 1 : i32
    %eq3A_29 = arith.cmpi eq, %arg0, %eq3A_28 : i32
    %convert_element_type3A_30 = arith.extui %eq3A_29 : i1 to i32
    %cond3A_31 = arith.constant 0 : i32
    %cond3A_32 = arith.cmpi ne, %convert_element_type3A_30, %cond3A_31 : i32
    scf.if %cond3A_32 {
      "tpu.region"() ({
        %run_scoped3A = tpu.sem_alloc : memref<!tpu.dma_semaphore, #tpu.memory_space<semaphore_mem>>
        %dma_start3A = arith.constant 0 : i32
        %dma_start3A_33 = tpu.memref_slice %arg6[%mul3A_5, %dma_start3A] : memref<10240x128xf32, #tpu.memory_space<hbm>> -> memref<640x128xf32, #tpu.memory_space<hbm>>
        %dma_start3A_34 = arith.constant 0 : i32
        %dma_start3A_35 = tpu.memref_slice %arg10[%mul3A_5, %dma_start3A_34] : memref<10240x128xf32, #tpu.memory_space<vmem_shared>> -> memref<640x128xf32, #tpu.memory_space<vmem_shared>>
        tpu.enqueue_dma source(%dma_start3A_35 : memref<640x128xf32, #tpu.memory_space<vmem_shared>>) target(%dma_start3A_33 : memref<640x128xf32, #tpu.memory_space<hbm>>) target_semaphore(%run_scoped3A : memref<!tpu.dma_semaphore, #tpu.memory_space<semaphore_mem>>)
        %dma_wait3A = arith.constant 0 : i32
        %dma_wait3A_36 = tpu.memref_slice %arg6[%mul3A_5, %dma_wait3A] : memref<10240x128xf32, #tpu.memory_space<hbm>> -> memref<640x128xf32, #tpu.memory_space<hbm>>
        %dma_wait3A_37 = arith.constant 0 : i32
        %dma_wait3A_38 = tpu.memref_slice %arg10[%mul3A_5, %dma_wait3A_37] : memref<10240x128xf32, #tpu.memory_space<vmem_shared>> -> memref<640x128xf32, #tpu.memory_space<vmem_shared>>
        tpu.wait_dma2 semaphore(%run_scoped3A : memref<!tpu.dma_semaphore, #tpu.memory_space<semaphore_mem>>) src(%dma_wait3A_38 : memref<640x128xf32, #tpu.memory_space<vmem_shared>>) dst(%dma_wait3A_36 : memref<640x128xf32, #tpu.memory_space<hbm>>)
        tpu.yield
      }) : () -> ()
    } else {
    }
    return
  }
}

#map = affine_map<(d0, d1) -> (0, 0)>
#map1 = affine_map<(d0, d1) -> (0)>
module attributes {stable_mosaic.version = 14 : i64} {
  func.func @agg_kernel(%arg0: i32, %arg1: i32, %arg2: memref<10000x128xf32, #tpu.memory_space<hbm>>, %arg3: memref<323584xi32, #tpu.memory_space<hbm>>, %arg4: memref<323584xi32, #tpu.memory_space<hbm>>, %arg5: memref<10240x128xf32, #tpu.memory_space<hbm>>, %arg6: memref<10240x128xf32, #tpu.memory_space<hbm>>, %arg7: memref<128xi32, #tpu.memory_space<vmem>>, %arg8: memref<128xi32, #tpu.memory_space<vmem>>, %arg9: memref<128x128xf32, #tpu.memory_space<vmem>>, %arg10: memref<10240x128xf32, #tpu.memory_space<vmem_shared>>, %arg11: memref<!tpu.dma_semaphore, #tpu.memory_space<semaphore_mem>>) attributes {dimension_semantics = [#tpu.dimension_semantics<core_parallel>, #tpu.dimension_semantics<subcore_parallel>], iteration_bounds = array<i64: 2, 16>, scalar_prefetch = 0 : i64, scratch_operands = 5 : i64, tpu.core_type = #tpu.core_type<sc_vector_subcore>, window_params = [{transform_indices = #map}, {transform_indices = #map1}, {transform_indices = #map1}, {transform_indices = #map}, {transform_indices = #map}]} {
    %scan3A = arith.constant 0 : i32
    %scan3A_0 = arith.constant 0 : i32
    %scan3A_1 = arith.constant 128 : i32
    %scan3A_2 = arith.addi %scan3A_0, %scan3A_1 : i32
    %scan3A_3 = arith.constant 1 : i32
    scf.for %scan3A_33 = %scan3A_0 to %scan3A_2 step %scan3A_3  : i32 {
      %broadcast_in_dim3A = arith.constant 0.000000e+00 : f32
      %broadcast_in_dim3A_34 = vector.broadcast %broadcast_in_dim3A : f32 to vector<16xf32>
      %swap3A = arith.index_cast %scan3A_33 : i32 to index
      %swap3A_35 = arith.constant 0 : index
      %swap3A_36 = tpu.vector_load %arg9[%swap3A, %swap3A_35] {strides = array<i32>} : memref<128x128xf32, #tpu.memory_space<vmem>>, vector<1x16xf32>,
      %swap3A_37 = vector.shape_cast %swap3A_36 : vector<1x16xf32> to vector<16xf32>
      %swap3A_38 = vector.shape_cast %broadcast_in_dim3A_34 : vector<16xf32> to vector<1x16xf32>
      tpu.vector_store %arg9[%swap3A, %swap3A_35], %swap3A_38 {strides = array<i32>} : memref<128x128xf32, #tpu.memory_space<vmem>>, vector<1x16xf32>,
      %broadcast_in_dim3A_39 = arith.constant 0.000000e+00 : f32
      %broadcast_in_dim3A_40 = vector.broadcast %broadcast_in_dim3A_39 : f32 to vector<16xf32>
      %swap3A_41 = arith.index_cast %scan3A_33 : i32 to index
      %swap3A_42 = arith.constant 16 : index
      %swap3A_43 = tpu.vector_load %arg9[%swap3A_41, %swap3A_42] {strides = array<i32>} : memref<128x128xf32, #tpu.memory_space<vmem>>, vector<1x16xf32>,
      %swap3A_44 = vector.shape_cast %swap3A_43 : vector<1x16xf32> to vector<16xf32>
      %swap3A_45 = vector.shape_cast %broadcast_in_dim3A_40 : vector<16xf32> to vector<1x16xf32>
      tpu.vector_store %arg9[%swap3A_41, %swap3A_42], %swap3A_45 {strides = array<i32>} : memref<128x128xf32, #tpu.memory_space<vmem>>, vector<1x16xf32>,
      %broadcast_in_dim3A_46 = arith.constant 0.000000e+00 : f32
      %broadcast_in_dim3A_47 = vector.broadcast %broadcast_in_dim3A_46 : f32 to vector<16xf32>
      %swap3A_48 = arith.index_cast %scan3A_33 : i32 to index
      %swap3A_49 = arith.constant 32 : index
      %swap3A_50 = tpu.vector_load %arg9[%swap3A_48, %swap3A_49] {strides = array<i32>} : memref<128x128xf32, #tpu.memory_space<vmem>>, vector<1x16xf32>,
      %swap3A_51 = vector.shape_cast %swap3A_50 : vector<1x16xf32> to vector<16xf32>
      %swap3A_52 = vector.shape_cast %broadcast_in_dim3A_47 : vector<16xf32> to vector<1x16xf32>
      tpu.vector_store %arg9[%swap3A_48, %swap3A_49], %swap3A_52 {strides = array<i32>} : memref<128x128xf32, #tpu.memory_space<vmem>>, vector<1x16xf32>,
      %broadcast_in_dim3A_53 = arith.constant 0.000000e+00 : f32
      %broadcast_in_dim3A_54 = vector.broadcast %broadcast_in_dim3A_53 : f32 to vector<16xf32>
      %swap3A_55 = arith.index_cast %scan3A_33 : i32 to index
      %swap3A_56 = arith.constant 48 : index
      %swap3A_57 = tpu.vector_load %arg9[%swap3A_55, %swap3A_56] {strides = array<i32>} : memref<128x128xf32, #tpu.memory_space<vmem>>, vector<1x16xf32>,
      %swap3A_58 = vector.shape_cast %swap3A_57 : vector<1x16xf32> to vector<16xf32>
      %swap3A_59 = vector.shape_cast %broadcast_in_dim3A_54 : vector<16xf32> to vector<1x16xf32>
      tpu.vector_store %arg9[%swap3A_55, %swap3A_56], %swap3A_59 {strides = array<i32>} : memref<128x128xf32, #tpu.memory_space<vmem>>, vector<1x16xf32>,
      %broadcast_in_dim3A_60 = arith.constant 0.000000e+00 : f32
      %broadcast_in_dim3A_61 = vector.broadcast %broadcast_in_dim3A_60 : f32 to vector<16xf32>
      %swap3A_62 = arith.index_cast %scan3A_33 : i32 to index
      %swap3A_63 = arith.constant 64 : index
      %swap3A_64 = tpu.vector_load %arg9[%swap3A_62, %swap3A_63] {strides = array<i32>} : memref<128x128xf32, #tpu.memory_space<vmem>>, vector<1x16xf32>,
      %swap3A_65 = vector.shape_cast %swap3A_64 : vector<1x16xf32> to vector<16xf32>
      %swap3A_66 = vector.shape_cast %broadcast_in_dim3A_61 : vector<16xf32> to vector<1x16xf32>
      tpu.vector_store %arg9[%swap3A_62, %swap3A_63], %swap3A_66 {strides = array<i32>} : memref<128x128xf32, #tpu.memory_space<vmem>>, vector<1x16xf32>,
      %broadcast_in_dim3A_67 = arith.constant 0.000000e+00 : f32
      %broadcast_in_dim3A_68 = vector.broadcast %broadcast_in_dim3A_67 : f32 to vector<16xf32>
      %swap3A_69 = arith.index_cast %scan3A_33 : i32 to index
      %swap3A_70 = arith.constant 80 : index
      %swap3A_71 = tpu.vector_load %arg9[%swap3A_69, %swap3A_70] {strides = array<i32>} : memref<128x128xf32, #tpu.memory_space<vmem>>, vector<1x16xf32>,
      %swap3A_72 = vector.shape_cast %swap3A_71 : vector<1x16xf32> to vector<16xf32>
      %swap3A_73 = vector.shape_cast %broadcast_in_dim3A_68 : vector<16xf32> to vector<1x16xf32>
      tpu.vector_store %arg9[%swap3A_69, %swap3A_70], %swap3A_73 {strides = array<i32>} : memref<128x128xf32, #tpu.memory_space<vmem>>, vector<1x16xf32>,
      %broadcast_in_dim3A_74 = arith.constant 0.000000e+00 : f32
      %broadcast_in_dim3A_75 = vector.broadcast %broadcast_in_dim3A_74 : f32 to vector<16xf32>
      %swap3A_76 = arith.index_cast %scan3A_33 : i32 to index
      %swap3A_77 = arith.constant 96 : index
      %swap3A_78 = tpu.vector_load %arg9[%swap3A_76, %swap3A_77] {strides = array<i32>} : memref<128x128xf32, #tpu.memory_space<vmem>>, vector<1x16xf32>,
      %swap3A_79 = vector.shape_cast %swap3A_78 : vector<1x16xf32> to vector<16xf32>
      %swap3A_80 = vector.shape_cast %broadcast_in_dim3A_75 : vector<16xf32> to vector<1x16xf32>
      tpu.vector_store %arg9[%swap3A_76, %swap3A_77], %swap3A_80 {strides = array<i32>} : memref<128x128xf32, #tpu.memory_space<vmem>>, vector<1x16xf32>,
      %broadcast_in_dim3A_81 = arith.constant 0.000000e+00 : f32
      %broadcast_in_dim3A_82 = vector.broadcast %broadcast_in_dim3A_81 : f32 to vector<16xf32>
      %swap3A_83 = arith.index_cast %scan3A_33 : i32 to index
      %swap3A_84 = arith.constant 112 : index
      %swap3A_85 = tpu.vector_load %arg9[%swap3A_83, %swap3A_84] {strides = array<i32>} : memref<128x128xf32, #tpu.memory_space<vmem>>, vector<1x16xf32>,
      %swap3A_86 = vector.shape_cast %swap3A_85 : vector<1x16xf32> to vector<16xf32>
      %swap3A_87 = vector.shape_cast %broadcast_in_dim3A_82 : vector<16xf32> to vector<1x16xf32>
      tpu.vector_store %arg9[%swap3A_83, %swap3A_84], %swap3A_87 {strides = array<i32>} : memref<128x128xf32, #tpu.memory_space<vmem>>, vector<1x16xf32>,
    }
    %scan3A_4 = arith.constant 128 : i32
    %mul3A = arith.constant 640 : i32
    %mul3A_5 = arith.muli %arg1, %mul3A : i32
    %add3A = arith.constant 0 : i32
    %add3A_6 = arith.addi %mul3A_5, %add3A : i32
    "tpu.region"() ({
      %run_scoped3A = tpu.sem_alloc : memref<!tpu.dma_semaphore, #tpu.memory_space<semaphore_mem>>
      %dma_start3A = arith.constant 0 : i32
      %dma_start3A_33 = tpu.memref_slice %arg10[%add3A_6, %dma_start3A] : memref<10240x128xf32, #tpu.memory_space<vmem_shared>> -> memref<128x128xf32, #tpu.memory_space<vmem_shared>>
      %dma_start3A_34 = arith.constant 0 : i32
      %dma_start3A_35 = tpu.memref_slice %arg10[%add3A_6, %dma_start3A_34] : memref<10240x128xf32, #tpu.memory_space<vmem_shared>> -> memref<128x128xf32, #tpu.memory_space<vmem_shared>>
      tpu.enqueue_dma source(%arg9 : memref<128x128xf32, #tpu.memory_space<vmem>>) target(%dma_start3A_35 : memref<128x128xf32, #tpu.memory_space<vmem_shared>>) target_semaphore(%run_scoped3A : memref<!tpu.dma_semaphore, #tpu.memory_space<semaphore_mem>>)
      %dma_wait3A = arith.constant 0 : i32
      %dma_wait3A_36 = tpu.memref_slice %arg10[%add3A_6, %dma_wait3A] : memref<10240x128xf32, #tpu.memory_space<vmem_shared>> -> memref<128x128xf32, #tpu.memory_space<vmem_shared>>
      %dma_wait3A_37 = arith.constant 0 : i32
      %dma_wait3A_38 = tpu.memref_slice %arg10[%add3A_6, %dma_wait3A_37] : memref<10240x128xf32, #tpu.memory_space<vmem_shared>> -> memref<128x128xf32, #tpu.memory_space<vmem_shared>>
      tpu.wait_dma2 semaphore(%run_scoped3A : memref<!tpu.dma_semaphore, #tpu.memory_space<semaphore_mem>>) src(%arg9 : memref<128x128xf32, #tpu.memory_space<vmem>>) dst(%dma_wait3A_38 : memref<128x128xf32, #tpu.memory_space<vmem_shared>>)
      tpu.yield
    }) : () -> ()
    %add3A_7 = arith.constant 128 : i32
    %add3A_8 = arith.addi %mul3A_5, %add3A_7 : i32
    "tpu.region"() ({
      %run_scoped3A = tpu.sem_alloc : memref<!tpu.dma_semaphore, #tpu.memory_space<semaphore_mem>>
      %dma_start3A = arith.constant 0 : i32
      %dma_start3A_33 = tpu.memref_slice %arg10[%add3A_8, %dma_start3A] : memref<10240x128xf32, #tpu.memory_space<vmem_shared>> -> memref<128x128xf32, #tpu.memory_space<vmem_shared>>
      %dma_start3A_34 = arith.constant 0 : i32
      %dma_start3A_35 = tpu.memref_slice %arg10[%add3A_8, %dma_start3A_34] : memref<10240x128xf32, #tpu.memory_space<vmem_shared>> -> memref<128x128xf32, #tpu.memory_space<vmem_shared>>
      tpu.enqueue_dma source(%arg9 : memref<128x128xf32, #tpu.memory_space<vmem>>) target(%dma_start3A_35 : memref<128x128xf32, #tpu.memory_space<vmem_shared>>) target_semaphore(%run_scoped3A : memref<!tpu.dma_semaphore, #tpu.memory_space<semaphore_mem>>)
      %dma_wait3A = arith.constant 0 : i32
      %dma_wait3A_36 = tpu.memref_slice %arg10[%add3A_8, %dma_wait3A] : memref<10240x128xf32, #tpu.memory_space<vmem_shared>> -> memref<128x128xf32, #tpu.memory_space<vmem_shared>>
      %dma_wait3A_37 = arith.constant 0 : i32
      %dma_wait3A_38 = tpu.memref_slice %arg10[%add3A_8, %dma_wait3A_37] : memref<10240x128xf32, #tpu.memory_space<vmem_shared>> -> memref<128x128xf32, #tpu.memory_space<vmem_shared>>
      tpu.wait_dma2 semaphore(%run_scoped3A : memref<!tpu.dma_semaphore, #tpu.memory_space<semaphore_mem>>) src(%arg9 : memref<128x128xf32, #tpu.memory_space<vmem>>) dst(%dma_wait3A_38 : memref<128x128xf32, #tpu.memory_space<vmem_shared>>)
      tpu.yield
    }) : () -> ()
    %add3A_9 = arith.constant 256 : i32
    %add3A_10 = arith.addi %mul3A_5, %add3A_9 : i32
    "tpu.region"() ({
      %run_scoped3A = tpu.sem_alloc : memref<!tpu.dma_semaphore, #tpu.memory_space<semaphore_mem>>
      %dma_start3A = arith.constant 0 : i32
      %dma_start3A_33 = tpu.memref_slice %arg10[%add3A_10, %dma_start3A] : memref<10240x128xf32, #tpu.memory_space<vmem_shared>> -> memref<128x128xf32, #tpu.memory_space<vmem_shared>>
      %dma_start3A_34 = arith.constant 0 : i32
      %dma_start3A_35 = tpu.memref_slice %arg10[%add3A_10, %dma_start3A_34] : memref<10240x128xf32, #tpu.memory_space<vmem_shared>> -> memref<128x128xf32, #tpu.memory_space<vmem_shared>>
      tpu.enqueue_dma source(%arg9 : memref<128x128xf32, #tpu.memory_space<vmem>>) target(%dma_start3A_35 : memref<128x128xf32, #tpu.memory_space<vmem_shared>>) target_semaphore(%run_scoped3A : memref<!tpu.dma_semaphore, #tpu.memory_space<semaphore_mem>>)
      %dma_wait3A = arith.constant 0 : i32
      %dma_wait3A_36 = tpu.memref_slice %arg10[%add3A_10, %dma_wait3A] : memref<10240x128xf32, #tpu.memory_space<vmem_shared>> -> memref<128x128xf32, #tpu.memory_space<vmem_shared>>
      %dma_wait3A_37 = arith.constant 0 : i32
      %dma_wait3A_38 = tpu.memref_slice %arg10[%add3A_10, %dma_wait3A_37] : memref<10240x128xf32, #tpu.memory_space<vmem_shared>> -> memref<128x128xf32, #tpu.memory_space<vmem_shared>>
      tpu.wait_dma2 semaphore(%run_scoped3A : memref<!tpu.dma_semaphore, #tpu.memory_space<semaphore_mem>>) src(%arg9 : memref<128x128xf32, #tpu.memory_space<vmem>>) dst(%dma_wait3A_38 : memref<128x128xf32, #tpu.memory_space<vmem_shared>>)
      tpu.yield
    }) : () -> ()
    %add3A_11 = arith.constant 384 : i32
    %add3A_12 = arith.addi %mul3A_5, %add3A_11 : i32
    "tpu.region"() ({
      %run_scoped3A = tpu.sem_alloc : memref<!tpu.dma_semaphore, #tpu.memory_space<semaphore_mem>>
      %dma_start3A = arith.constant 0 : i32
      %dma_start3A_33 = tpu.memref_slice %arg10[%add3A_12, %dma_start3A] : memref<10240x128xf32, #tpu.memory_space<vmem_shared>> -> memref<128x128xf32, #tpu.memory_space<vmem_shared>>
      %dma_start3A_34 = arith.constant 0 : i32
      %dma_start3A_35 = tpu.memref_slice %arg10[%add3A_12, %dma_start3A_34] : memref<10240x128xf32, #tpu.memory_space<vmem_shared>> -> memref<128x128xf32, #tpu.memory_space<vmem_shared>>
      tpu.enqueue_dma source(%arg9 : memref<128x128xf32, #tpu.memory_space<vmem>>) target(%dma_start3A_35 : memref<128x128xf32, #tpu.memory_space<vmem_shared>>) target_semaphore(%run_scoped3A : memref<!tpu.dma_semaphore, #tpu.memory_space<semaphore_mem>>)
      %dma_wait3A = arith.constant 0 : i32
      %dma_wait3A_36 = tpu.memref_slice %arg10[%add3A_12, %dma_wait3A] : memref<10240x128xf32, #tpu.memory_space<vmem_shared>> -> memref<128x128xf32, #tpu.memory_space<vmem_shared>>
      %dma_wait3A_37 = arith.constant 0 : i32
      %dma_wait3A_38 = tpu.memref_slice %arg10[%add3A_12, %dma_wait3A_37] : memref<10240x128xf32, #tpu.memory_space<vmem_shared>> -> memref<128x128xf32, #tpu.memory_space<vmem_shared>>
      tpu.wait_dma2 semaphore(%run_scoped3A : memref<!tpu.dma_semaphore, #tpu.memory_space<semaphore_mem>>) src(%arg9 : memref<128x128xf32, #tpu.memory_space<vmem>>) dst(%dma_wait3A_38 : memref<128x128xf32, #tpu.memory_space<vmem_shared>>)
      tpu.yield
    }) : () -> ()
    %add3A_13 = arith.constant 512 : i32
    %add3A_14 = arith.addi %mul3A_5, %add3A_13 : i32
    "tpu.region"() ({
      %run_scoped3A = tpu.sem_alloc : memref<!tpu.dma_semaphore, #tpu.memory_space<semaphore_mem>>
      %dma_start3A = arith.constant 0 : i32
      %dma_start3A_33 = tpu.memref_slice %arg10[%add3A_14, %dma_start3A] : memref<10240x128xf32, #tpu.memory_space<vmem_shared>> -> memref<128x128xf32, #tpu.memory_space<vmem_shared>>
      %dma_start3A_34 = arith.constant 0 : i32
      %dma_start3A_35 = tpu.memref_slice %arg10[%add3A_14, %dma_start3A_34] : memref<10240x128xf32, #tpu.memory_space<vmem_shared>> -> memref<128x128xf32, #tpu.memory_space<vmem_shared>>
      tpu.enqueue_dma source(%arg9 : memref<128x128xf32, #tpu.memory_space<vmem>>) target(%dma_start3A_35 : memref<128x128xf32, #tpu.memory_space<vmem_shared>>) target_semaphore(%run_scoped3A : memref<!tpu.dma_semaphore, #tpu.memory_space<semaphore_mem>>)
      %dma_wait3A = arith.constant 0 : i32
      %dma_wait3A_36 = tpu.memref_slice %arg10[%add3A_14, %dma_wait3A] : memref<10240x128xf32, #tpu.memory_space<vmem_shared>> -> memref<128x128xf32, #tpu.memory_space<vmem_shared>>
      %dma_wait3A_37 = arith.constant 0 : i32
      %dma_wait3A_38 = tpu.memref_slice %arg10[%add3A_14, %dma_wait3A_37] : memref<10240x128xf32, #tpu.memory_space<vmem_shared>> -> memref<128x128xf32, #tpu.memory_space<vmem_shared>>
      tpu.wait_dma2 semaphore(%run_scoped3A : memref<!tpu.dma_semaphore, #tpu.memory_space<semaphore_mem>>) src(%arg9 : memref<128x128xf32, #tpu.memory_space<vmem>>) dst(%dma_wait3A_38 : memref<128x128xf32, #tpu.memory_space<vmem_shared>>)
      tpu.yield
    }) : () -> ()
    %barrier3A = arith.constant 0 : index
    tpu.barrier barrier_id(%barrier3A)
    %eq3A = arith.constant 0 : i32
    %eq3A_15 = arith.cmpi eq, %arg0, %eq3A : i32
    %convert_element_type3A = arith.extui %eq3A_15 : i1 to i32
    %cond3A = arith.constant 0 : i32
    %cond3A_16 = arith.cmpi ne, %convert_element_type3A, %cond3A : i32
    scf.if %cond3A_16 {
      %mul3A_33 = arith.constant 103 : i32
      %mul3A_34 = arith.muli %arg1, %mul3A_33 : i32
      %scan3A_35 = arith.constant 0 : i32
      %scan3A_36 = arith.constant 0 : i32
      %scan3A_37 = arith.constant 103 : i32
      %scan3A_38 = arith.addi %scan3A_36, %scan3A_37 : i32
      %scan3A_39 = arith.constant 1 : i32
      scf.for %scan3A_41 = %scan3A_36 to %scan3A_38 step %scan3A_39  : i32 {
        %add3A_42 = arith.addi %mul3A_34, %scan3A_41 : i32
        %mul3A_43 = arith.constant 128 : i32
        %mul3A_44 = arith.muli %add3A_42, %mul3A_43 : i32
        "tpu.region"() ({
          %run_scoped3A = tpu.sem_alloc : memref<!tpu.dma_semaphore, #tpu.memory_space<semaphore_mem>>
          %dma_start3A_49 = tpu.memref_slice %arg3[%mul3A_44] : memref<323584xi32, #tpu.memory_space<hbm>> -> memref<128xi32, #tpu.memory_space<hbm>>
          %dma_start3A_50 = tpu.memref_slice %arg3[%mul3A_44] : memref<323584xi32, #tpu.memory_space<hbm>> -> memref<128xi32, #tpu.memory_space<hbm>>
          tpu.enqueue_dma source(%dma_start3A_50 : memref<128xi32, #tpu.memory_space<hbm>>) target(%arg7 : memref<128xi32, #tpu.memory_space<vmem>>) target_semaphore(%run_scoped3A : memref<!tpu.dma_semaphore, #tpu.memory_space<semaphore_mem>>)
          %dma_wait3A_51 = tpu.memref_slice %arg3[%mul3A_44] : memref<323584xi32, #tpu.memory_space<hbm>> -> memref<128xi32, #tpu.memory_space<hbm>>
          %dma_wait3A_52 = tpu.memref_slice %arg3[%mul3A_44] : memref<323584xi32, #tpu.memory_space<hbm>> -> memref<128xi32, #tpu.memory_space<hbm>>
          tpu.wait_dma2 semaphore(%run_scoped3A : memref<!tpu.dma_semaphore, #tpu.memory_space<semaphore_mem>>) src(%dma_wait3A_52 : memref<128xi32, #tpu.memory_space<hbm>>) dst(%arg7 : memref<128xi32, #tpu.memory_space<vmem>>)
          tpu.yield
        }) : () -> ()
        "tpu.region"() ({
          %run_scoped3A = tpu.sem_alloc : memref<!tpu.dma_semaphore, #tpu.memory_space<semaphore_mem>>
          %dma_start3A_49 = tpu.memref_slice %arg4[%mul3A_44] : memref<323584xi32, #tpu.memory_space<hbm>> -> memref<128xi32, #tpu.memory_space<hbm>>
          %dma_start3A_50 = tpu.memref_slice %arg4[%mul3A_44] : memref<323584xi32, #tpu.memory_space<hbm>> -> memref<128xi32, #tpu.memory_space<hbm>>
          tpu.enqueue_dma source(%dma_start3A_50 : memref<128xi32, #tpu.memory_space<hbm>>) target(%arg8 : memref<128xi32, #tpu.memory_space<vmem>>) target_semaphore(%run_scoped3A : memref<!tpu.dma_semaphore, #tpu.memory_space<semaphore_mem>>)
          %dma_wait3A_51 = tpu.memref_slice %arg4[%mul3A_44] : memref<323584xi32, #tpu.memory_space<hbm>> -> memref<128xi32, #tpu.memory_space<hbm>>
          %dma_wait3A_52 = tpu.memref_slice %arg4[%mul3A_44] : memref<323584xi32, #tpu.memory_space<hbm>> -> memref<128xi32, #tpu.memory_space<hbm>>
          tpu.wait_dma2 semaphore(%run_scoped3A : memref<!tpu.dma_semaphore, #tpu.memory_space<semaphore_mem>>) src(%dma_wait3A_52 : memref<128xi32, #tpu.memory_space<hbm>>) dst(%arg8 : memref<128xi32, #tpu.memory_space<vmem>>)
          tpu.yield
        }) : () -> ()
        %dma_start3A = arith.constant 0 : i32
        %dma_start3A_45 = arith.constant 0 : i32
        %dma_start3A_46 = tpu.memref_slice %arg2[%dma_start3A, %dma_start3A_45] : memref<10000x128xf32, #tpu.memory_space<hbm>> -> memref<10000x128xf32, #tpu.memory_space<hbm>>
        tpu.enqueue_indirect_dma source(%dma_start3A_46 : memref<10000x128xf32, #tpu.memory_space<hbm>>) target(%arg9 : memref<128x128xf32, #tpu.memory_space<vmem>>) offsets(%arg7 : memref<128xi32, #tpu.memory_space<vmem>>) semaphore(%arg11 : memref<!tpu.dma_semaphore, #tpu.memory_space<semaphore_mem>>)
        %dma_wait3A = arith.constant 0 : i32
        %dma_wait3A_47 = arith.constant 0 : i32
        %dma_wait3A_48 = tpu.memref_slice %arg2[%dma_wait3A, %dma_wait3A_47] : memref<10000x128xf32, #tpu.memory_space<hbm>> -> memref<10000x128xf32, #tpu.memory_space<hbm>>
        tpu.wait_indirect_dma semaphore(%arg11 : memref<!tpu.dma_semaphore, #tpu.memory_space<semaphore_mem>>) src(%dma_wait3A_48 : memref<10000x128xf32, #tpu.memory_space<hbm>>) dst(%arg9 : memref<128x128xf32, #tpu.memory_space<vmem>>)
        "tpu.region"() ({
          %run_scoped3A = tpu.sem_alloc : memref<!tpu.dma_semaphore, #tpu.memory_space<semaphore_mem>>
          %dma_start3A_49 = arith.constant 0 : i32
          %dma_start3A_50 = arith.constant 0 : i32
          %dma_start3A_51 = tpu.memref_slice %arg10[%dma_start3A_49, %dma_start3A_50] : memref<10240x128xf32, #tpu.memory_space<vmem_shared>> -> memref<10240x128xf32, #tpu.memory_space<vmem_shared>>
          tpu.enqueue_indirect_dma source(%arg9 : memref<128x128xf32, #tpu.memory_space<vmem>>) target(%dma_start3A_51 : memref<10240x128xf32, #tpu.memory_space<vmem_shared>>) offsets(%arg8 : memref<128xi32, #tpu.memory_space<vmem>>) semaphore(%run_scoped3A : memref<!tpu.dma_semaphore, #tpu.memory_space<semaphore_mem>>) {add = true}
          %dma_wait3A_52 = arith.constant 0 : i32
          %dma_wait3A_53 = arith.constant 0 : i32
          %dma_wait3A_54 = tpu.memref_slice %arg10[%dma_wait3A_52, %dma_wait3A_53] : memref<10240x128xf32, #tpu.memory_space<vmem_shared>> -> memref<10240x128xf32, #tpu.memory_space<vmem_shared>>
          tpu.wait_indirect_dma semaphore(%run_scoped3A : memref<!tpu.dma_semaphore, #tpu.memory_space<semaphore_mem>>) src(%arg9 : memref<128x128xf32, #tpu.memory_space<vmem>>) dst(%dma_wait3A_54 : memref<10240x128xf32, #tpu.memory_space<vmem_shared>>)
          tpu.yield
        }) : () -> ()
      }
      %scan3A_40 = arith.constant 103 : i32
    } else {
    }
    %eq3A_17 = arith.constant 1 : i32
    %eq3A_18 = arith.cmpi eq, %arg0, %eq3A_17 : i32
    %convert_element_type3A_19 = arith.extui %eq3A_18 : i1 to i32
    %cond3A_20 = arith.constant 0 : i32
    %cond3A_21 = arith.cmpi ne, %convert_element_type3A_19, %cond3A_20 : i32
    scf.if %cond3A_21 {
      %mul3A_33 = arith.constant 55 : i32
      %mul3A_34 = arith.muli %arg1, %mul3A_33 : i32
      %add3A_35 = arith.constant 1648 : i32
      %add3A_36 = arith.addi %add3A_35, %mul3A_34 : i32
      %scan3A_37 = arith.constant 0 : i32
      %scan3A_38 = arith.constant 0 : i32
      %scan3A_39 = arith.constant 55 : i32
      %scan3A_40 = arith.addi %scan3A_38, %scan3A_39 : i32
      %scan3A_41 = arith.constant 1 : i32
      scf.for %scan3A_43 = %scan3A_38 to %scan3A_40 step %scan3A_41  : i32 {
        %add3A_44 = arith.addi %add3A_36, %scan3A_43 : i32
        %mul3A_45 = arith.constant 128 : i32
        %mul3A_46 = arith.muli %add3A_44, %mul3A_45 : i32
        "tpu.region"() ({
          %run_scoped3A = tpu.sem_alloc : memref<!tpu.dma_semaphore, #tpu.memory_space<semaphore_mem>>
          %dma_start3A_51 = tpu.memref_slice %arg3[%mul3A_46] : memref<323584xi32, #tpu.memory_space<hbm>> -> memref<128xi32, #tpu.memory_space<hbm>>
          %dma_start3A_52 = tpu.memref_slice %arg3[%mul3A_46] : memref<323584xi32, #tpu.memory_space<hbm>> -> memref<128xi32, #tpu.memory_space<hbm>>
          tpu.enqueue_dma source(%dma_start3A_52 : memref<128xi32, #tpu.memory_space<hbm>>) target(%arg7 : memref<128xi32, #tpu.memory_space<vmem>>) target_semaphore(%run_scoped3A : memref<!tpu.dma_semaphore, #tpu.memory_space<semaphore_mem>>)
          %dma_wait3A_53 = tpu.memref_slice %arg3[%mul3A_46] : memref<323584xi32, #tpu.memory_space<hbm>> -> memref<128xi32, #tpu.memory_space<hbm>>
          %dma_wait3A_54 = tpu.memref_slice %arg3[%mul3A_46] : memref<323584xi32, #tpu.memory_space<hbm>> -> memref<128xi32, #tpu.memory_space<hbm>>
          tpu.wait_dma2 semaphore(%run_scoped3A : memref<!tpu.dma_semaphore, #tpu.memory_space<semaphore_mem>>) src(%dma_wait3A_54 : memref<128xi32, #tpu.memory_space<hbm>>) dst(%arg7 : memref<128xi32, #tpu.memory_space<vmem>>)
          tpu.yield
        }) : () -> ()
        "tpu.region"() ({
          %run_scoped3A = tpu.sem_alloc : memref<!tpu.dma_semaphore, #tpu.memory_space<semaphore_mem>>
          %dma_start3A_51 = tpu.memref_slice %arg4[%mul3A_46] : memref<323584xi32, #tpu.memory_space<hbm>> -> memref<128xi32, #tpu.memory_space<hbm>>
          %dma_start3A_52 = tpu.memref_slice %arg4[%mul3A_46] : memref<323584xi32, #tpu.memory_space<hbm>> -> memref<128xi32, #tpu.memory_space<hbm>>
          tpu.enqueue_dma source(%dma_start3A_52 : memref<128xi32, #tpu.memory_space<hbm>>) target(%arg8 : memref<128xi32, #tpu.memory_space<vmem>>) target_semaphore(%run_scoped3A : memref<!tpu.dma_semaphore, #tpu.memory_space<semaphore_mem>>)
          %dma_wait3A_53 = tpu.memref_slice %arg4[%mul3A_46] : memref<323584xi32, #tpu.memory_space<hbm>> -> memref<128xi32, #tpu.memory_space<hbm>>
          %dma_wait3A_54 = tpu.memref_slice %arg4[%mul3A_46] : memref<323584xi32, #tpu.memory_space<hbm>> -> memref<128xi32, #tpu.memory_space<hbm>>
          tpu.wait_dma2 semaphore(%run_scoped3A : memref<!tpu.dma_semaphore, #tpu.memory_space<semaphore_mem>>) src(%dma_wait3A_54 : memref<128xi32, #tpu.memory_space<hbm>>) dst(%arg8 : memref<128xi32, #tpu.memory_space<vmem>>)
          tpu.yield
        }) : () -> ()
        %dma_start3A = arith.constant 0 : i32
        %dma_start3A_47 = arith.constant 0 : i32
        %dma_start3A_48 = tpu.memref_slice %arg2[%dma_start3A, %dma_start3A_47] : memref<10000x128xf32, #tpu.memory_space<hbm>> -> memref<10000x128xf32, #tpu.memory_space<hbm>>
        tpu.enqueue_indirect_dma source(%dma_start3A_48 : memref<10000x128xf32, #tpu.memory_space<hbm>>) target(%arg9 : memref<128x128xf32, #tpu.memory_space<vmem>>) offsets(%arg7 : memref<128xi32, #tpu.memory_space<vmem>>) semaphore(%arg11 : memref<!tpu.dma_semaphore, #tpu.memory_space<semaphore_mem>>)
        %dma_wait3A = arith.constant 0 : i32
        %dma_wait3A_49 = arith.constant 0 : i32
        %dma_wait3A_50 = tpu.memref_slice %arg2[%dma_wait3A, %dma_wait3A_49] : memref<10000x128xf32, #tpu.memory_space<hbm>> -> memref<10000x128xf32, #tpu.memory_space<hbm>>
        tpu.wait_indirect_dma semaphore(%arg11 : memref<!tpu.dma_semaphore, #tpu.memory_space<semaphore_mem>>) src(%dma_wait3A_50 : memref<10000x128xf32, #tpu.memory_space<hbm>>) dst(%arg9 : memref<128x128xf32, #tpu.memory_space<vmem>>)
        "tpu.region"() ({
          %run_scoped3A = tpu.sem_alloc : memref<!tpu.dma_semaphore, #tpu.memory_space<semaphore_mem>>
          %dma_start3A_51 = arith.constant 0 : i32
          %dma_start3A_52 = arith.constant 0 : i32
          %dma_start3A_53 = tpu.memref_slice %arg10[%dma_start3A_51, %dma_start3A_52] : memref<10240x128xf32, #tpu.memory_space<vmem_shared>> -> memref<10240x128xf32, #tpu.memory_space<vmem_shared>>
          tpu.enqueue_indirect_dma source(%arg9 : memref<128x128xf32, #tpu.memory_space<vmem>>) target(%dma_start3A_53 : memref<10240x128xf32, #tpu.memory_space<vmem_shared>>) offsets(%arg8 : memref<128xi32, #tpu.memory_space<vmem>>) semaphore(%run_scoped3A : memref<!tpu.dma_semaphore, #tpu.memory_space<semaphore_mem>>) {add = true}
          %dma_wait3A_54 = arith.constant 0 : i32
          %dma_wait3A_55 = arith.constant 0 : i32
          %dma_wait3A_56 = tpu.memref_slice %arg10[%dma_wait3A_54, %dma_wait3A_55] : memref<10240x128xf32, #tpu.memory_space<vmem_shared>> -> memref<10240x128xf32, #tpu.memory_space<vmem_shared>>
          tpu.wait_indirect_dma semaphore(%run_scoped3A : memref<!tpu.dma_semaphore, #tpu.memory_space<semaphore_mem>>) src(%arg9 : memref<128x128xf32, #tpu.memory_space<vmem>>) dst(%dma_wait3A_56 : memref<10240x128xf32, #tpu.memory_space<vmem_shared>>)
          tpu.yield
        }) : () -> ()
      }
      %scan3A_42 = arith.constant 55 : i32
    } else {
    }
    %barrier3A_22 = arith.constant 0 : index
    tpu.barrier barrier_id(%barrier3A_22)
    %eq3A_23 = arith.constant 0 : i32
    %eq3A_24 = arith.cmpi eq, %arg0, %eq3A_23 : i32
    %convert_element_type3A_25 = arith.extui %eq3A_24 : i1 to i32
    %cond3A_26 = arith.constant 0 : i32
    %cond3A_27 = arith.cmpi ne, %convert_element_type3A_25, %cond3A_26 : i32
    scf.if %cond3A_27 {
      "tpu.region"() ({
        %run_scoped3A = tpu.sem_alloc : memref<!tpu.dma_semaphore, #tpu.memory_space<semaphore_mem>>
        %dma_start3A = arith.constant 0 : i32
        %dma_start3A_33 = tpu.memref_slice %arg5[%mul3A_5, %dma_start3A] : memref<10240x128xf32, #tpu.memory_space<hbm>> -> memref<640x128xf32, #tpu.memory_space<hbm>>
        %dma_start3A_34 = arith.constant 0 : i32
        %dma_start3A_35 = tpu.memref_slice %arg10[%mul3A_5, %dma_start3A_34] : memref<10240x128xf32, #tpu.memory_space<vmem_shared>> -> memref<640x128xf32, #tpu.memory_space<vmem_shared>>
        tpu.enqueue_dma source(%dma_start3A_35 : memref<640x128xf32, #tpu.memory_space<vmem_shared>>) target(%dma_start3A_33 : memref<640x128xf32, #tpu.memory_space<hbm>>) target_semaphore(%run_scoped3A : memref<!tpu.dma_semaphore, #tpu.memory_space<semaphore_mem>>)
        %dma_wait3A = arith.constant 0 : i32
        %dma_wait3A_36 = tpu.memref_slice %arg5[%mul3A_5, %dma_wait3A] : memref<10240x128xf32, #tpu.memory_space<hbm>> -> memref<640x128xf32, #tpu.memory_space<hbm>>
        %dma_wait3A_37 = arith.constant 0 : i32
        %dma_wait3A_38 = tpu.memref_slice %arg10[%mul3A_5, %dma_wait3A_37] : memref<10240x128xf32, #tpu.memory_space<vmem_shared>> -> memref<640x128xf32, #tpu.memory_space<vmem_shared>>
        tpu.wait_dma2 semaphore(%run_scoped3A : memref<!tpu.dma_semaphore, #tpu.memory_space<semaphore_mem>>) src(%dma_wait3A_38 : memref<640x128xf32, #tpu.memory_space<vmem_shared>>) dst(%dma_wait3A_36 : memref<640x128xf32, #tpu.memory_space<hbm>>)
        tpu.yield
      }) : () -> ()
    } else {
    }
    %eq3A_28 = arith.constant 1 : i32
    %eq3A_29 = arith.cmpi eq, %arg0, %eq3A_28 : i32
    %convert_element_type3A_30 = arith.extui %eq3A_29 : i1 to i32
    %cond3A_31 = arith.constant 0 : i32
    %cond3A_32 = arith.cmpi ne, %convert_element_type3A_30, %cond3A_31 : i32
    scf.if %cond3A_32 {
      "tpu.region"() ({
        %run_scoped3A = tpu.sem_alloc : memref<!tpu.dma_semaphore, #tpu.memory_space<semaphore_mem>>
        %dma_start3A = arith.constant 0 : i32
        %dma_start3A_33 = tpu.memref_slice %arg6[%mul3A_5, %dma_start3A] : memref<10240x128xf32, #tpu.memory_space<hbm>> -> memref<640x128xf32, #tpu.memory_space<hbm>>
        %dma_start3A_34 = arith.constant 0 : i32
        %dma_start3A_35 = tpu.memref_slice %arg10[%mul3A_5, %dma_start3A_34] : memref<10240x128xf32, #tpu.memory_space<vmem_shared>> -> memref<640x128xf32, #tpu.memory_space<vmem_shared>>
        tpu.enqueue_dma source(%dma_start3A_35 : memref<640x128xf32, #tpu.memory_space<vmem_shared>>) target(%dma_start3A_33 : memref<640x128xf32, #tpu.memory_space<hbm>>) target_semaphore(%run_scoped3A : memref<!tpu.dma_semaphore, #tpu.memory_space<semaphore_mem>>)
        %dma_wait3A = arith.constant 0 : i32
        %dma_wait3A_36 = tpu.memref_slice %arg6[%mul3A_5, %dma_wait3A] : memref<10240x128xf32, #tpu.memory_space<hbm>> -> memref<640x128xf32, #tpu.memory_space<hbm>>
        %dma_wait3A_37 = arith.constant 0 : i32
        %dma_wait3A_38 = tpu.memref_slice %arg10[%mul3A_5, %dma_wait3A_37] : memref<10240x128xf32, #tpu.memory_space<vmem_shared>> -> memref<640x128xf32, #tpu.memory_space<vmem_shared>>
        tpu.wait_dma2 semaphore(%run_scoped3A : memref<!tpu.dma_semaphore, #tpu.memory_space<semaphore_mem>>) src(%dma_wait3A_38 : memref<640x128xf32, #tpu.memory_space<vmem_shared>>) dst(%dma_wait3A_36 : memref<640x128xf32, #tpu.memory_space<hbm>>)
        tpu.yield
      }) : () -> ()
    } else {
    }
    return
  }
}

#map = affine_map<(d0, d1) -> (0)>
#map1 = affine_map<(d0, d1) -> (0, 0)>
module attributes {stable_mosaic.version = 14 : i64} {
  func.func @deg_kernel(%arg0: i32, %arg1: i32, %arg2: memref<323584xi32, #tpu.memory_space<hbm>>, %arg3: memref<10240x16xf32, #tpu.memory_space<hbm>>, %arg4: memref<10240x16xf32, #tpu.memory_space<hbm>>, %arg5: memref<128xi32, #tpu.memory_space<vmem>>, %arg6: memref<128x16xf32, #tpu.memory_space<vmem>>, %arg7: memref<10240x16xf32, #tpu.memory_space<vmem_shared>>) attributes {dimension_semantics = [#tpu.dimension_semantics<core_parallel>, #tpu.dimension_semantics<subcore_parallel>], iteration_bounds = array<i64: 2, 16>, scalar_prefetch = 0 : i64, scratch_operands = 3 : i64, tpu.core_type = #tpu.core_type<sc_vector_subcore>, window_params = [{transform_indices = #map}, {transform_indices = #map1}, {transform_indices = #map1}]} {
    %mul3A = arith.constant 16 : i32
    %mul3A_0 = arith.muli %arg0, %mul3A : i32
    %add3A = arith.addi %mul3A_0, %arg1 : i32
    %scan3A = arith.constant 0 : i32
    %scan3A_1 = arith.constant 0 : i32
    %scan3A_2 = arith.constant 128 : i32
    %scan3A_3 = arith.addi %scan3A_1, %scan3A_2 : i32
    %scan3A_4 = arith.constant 1 : i32
    scf.for %scan3A_38 = %scan3A_1 to %scan3A_3 step %scan3A_4  : i32 {
      %broadcast_in_dim3A = arith.constant 0.000000e+00 : f32
      %broadcast_in_dim3A_39 = vector.broadcast %broadcast_in_dim3A : f32 to vector<16xf32>
      %swap3A = arith.index_cast %scan3A_38 : i32 to index
      %swap3A_40 = arith.constant 0 : index
      %swap3A_41 = tpu.vector_load %arg6[%swap3A, %swap3A_40] {strides = array<i32>} : memref<128x16xf32, #tpu.memory_space<vmem>>, vector<1x16xf32>,
      %swap3A_42 = vector.shape_cast %swap3A_41 : vector<1x16xf32> to vector<16xf32>
      %swap3A_43 = vector.shape_cast %broadcast_in_dim3A_39 : vector<16xf32> to vector<1x16xf32>
      tpu.vector_store %arg6[%swap3A, %swap3A_40], %swap3A_43 {strides = array<i32>} : memref<128x16xf32, #tpu.memory_space<vmem>>, vector<1x16xf32>,
    }
    %scan3A_5 = arith.constant 128 : i32
    %mul3A_6 = arith.constant 640 : i32
    %mul3A_7 = arith.muli %arg1, %mul3A_6 : i32
    %add3A_8 = arith.constant 0 : i32
    %add3A_9 = arith.addi %mul3A_7, %add3A_8 : i32
    "tpu.region"() ({
      %run_scoped3A = tpu.sem_alloc : memref<!tpu.dma_semaphore, #tpu.memory_space<semaphore_mem>>
      %dma_start3A = arith.constant 0 : i32
      %dma_start3A_38 = tpu.memref_slice %arg7[%add3A_9, %dma_start3A] : memref<10240x16xf32, #tpu.memory_space<vmem_shared>> -> memref<128x16xf32, #tpu.memory_space<vmem_shared>>
      %dma_start3A_39 = arith.constant 0 : i32
      %dma_start3A_40 = tpu.memref_slice %arg7[%add3A_9, %dma_start3A_39] : memref<10240x16xf32, #tpu.memory_space<vmem_shared>> -> memref<128x16xf32, #tpu.memory_space<vmem_shared>>
      tpu.enqueue_dma source(%arg6 : memref<128x16xf32, #tpu.memory_space<vmem>>) target(%dma_start3A_40 : memref<128x16xf32, #tpu.memory_space<vmem_shared>>) target_semaphore(%run_scoped3A : memref<!tpu.dma_semaphore, #tpu.memory_space<semaphore_mem>>)
      %dma_wait3A = arith.constant 0 : i32
      %dma_wait3A_41 = tpu.memref_slice %arg7[%add3A_9, %dma_wait3A] : memref<10240x16xf32, #tpu.memory_space<vmem_shared>> -> memref<128x16xf32, #tpu.memory_space<vmem_shared>>
      %dma_wait3A_42 = arith.constant 0 : i32
      %dma_wait3A_43 = tpu.memref_slice %arg7[%add3A_9, %dma_wait3A_42] : memref<10240x16xf32, #tpu.memory_space<vmem_shared>> -> memref<128x16xf32, #tpu.memory_space<vmem_shared>>
      tpu.wait_dma2 semaphore(%run_scoped3A : memref<!tpu.dma_semaphore, #tpu.memory_space<semaphore_mem>>) src(%arg6 : memref<128x16xf32, #tpu.memory_space<vmem>>) dst(%dma_wait3A_43 : memref<128x16xf32, #tpu.memory_space<vmem_shared>>)
      tpu.yield
    }) : () -> ()
    %add3A_10 = arith.constant 128 : i32
    %add3A_11 = arith.addi %mul3A_7, %add3A_10 : i32
    "tpu.region"() ({
      %run_scoped3A = tpu.sem_alloc : memref<!tpu.dma_semaphore, #tpu.memory_space<semaphore_mem>>
      %dma_start3A = arith.constant 0 : i32
      %dma_start3A_38 = tpu.memref_slice %arg7[%add3A_11, %dma_start3A] : memref<10240x16xf32, #tpu.memory_space<vmem_shared>> -> memref<128x16xf32, #tpu.memory_space<vmem_shared>>
      %dma_start3A_39 = arith.constant 0 : i32
      %dma_start3A_40 = tpu.memref_slice %arg7[%add3A_11, %dma_start3A_39] : memref<10240x16xf32, #tpu.memory_space<vmem_shared>> -> memref<128x16xf32, #tpu.memory_space<vmem_shared>>
      tpu.enqueue_dma source(%arg6 : memref<128x16xf32, #tpu.memory_space<vmem>>) target(%dma_start3A_40 : memref<128x16xf32, #tpu.memory_space<vmem_shared>>) target_semaphore(%run_scoped3A : memref<!tpu.dma_semaphore, #tpu.memory_space<semaphore_mem>>)
      %dma_wait3A = arith.constant 0 : i32
      %dma_wait3A_41 = tpu.memref_slice %arg7[%add3A_11, %dma_wait3A] : memref<10240x16xf32, #tpu.memory_space<vmem_shared>> -> memref<128x16xf32, #tpu.memory_space<vmem_shared>>
      %dma_wait3A_42 = arith.constant 0 : i32
      %dma_wait3A_43 = tpu.memref_slice %arg7[%add3A_11, %dma_wait3A_42] : memref<10240x16xf32, #tpu.memory_space<vmem_shared>> -> memref<128x16xf32, #tpu.memory_space<vmem_shared>>
      tpu.wait_dma2 semaphore(%run_scoped3A : memref<!tpu.dma_semaphore, #tpu.memory_space<semaphore_mem>>) src(%arg6 : memref<128x16xf32, #tpu.memory_space<vmem>>) dst(%dma_wait3A_43 : memref<128x16xf32, #tpu.memory_space<vmem_shared>>)
      tpu.yield
    }) : () -> ()
    %add3A_12 = arith.constant 256 : i32
    %add3A_13 = arith.addi %mul3A_7, %add3A_12 : i32
    "tpu.region"() ({
      %run_scoped3A = tpu.sem_alloc : memref<!tpu.dma_semaphore, #tpu.memory_space<semaphore_mem>>
      %dma_start3A = arith.constant 0 : i32
      %dma_start3A_38 = tpu.memref_slice %arg7[%add3A_13, %dma_start3A] : memref<10240x16xf32, #tpu.memory_space<vmem_shared>> -> memref<128x16xf32, #tpu.memory_space<vmem_shared>>
      %dma_start3A_39 = arith.constant 0 : i32
      %dma_start3A_40 = tpu.memref_slice %arg7[%add3A_13, %dma_start3A_39] : memref<10240x16xf32, #tpu.memory_space<vmem_shared>> -> memref<128x16xf32, #tpu.memory_space<vmem_shared>>
      tpu.enqueue_dma source(%arg6 : memref<128x16xf32, #tpu.memory_space<vmem>>) target(%dma_start3A_40 : memref<128x16xf32, #tpu.memory_space<vmem_shared>>) target_semaphore(%run_scoped3A : memref<!tpu.dma_semaphore, #tpu.memory_space<semaphore_mem>>)
      %dma_wait3A = arith.constant 0 : i32
      %dma_wait3A_41 = tpu.memref_slice %arg7[%add3A_13, %dma_wait3A] : memref<10240x16xf32, #tpu.memory_space<vmem_shared>> -> memref<128x16xf32, #tpu.memory_space<vmem_shared>>
      %dma_wait3A_42 = arith.constant 0 : i32
      %dma_wait3A_43 = tpu.memref_slice %arg7[%add3A_13, %dma_wait3A_42] : memref<10240x16xf32, #tpu.memory_space<vmem_shared>> -> memref<128x16xf32, #tpu.memory_space<vmem_shared>>
      tpu.wait_dma2 semaphore(%run_scoped3A : memref<!tpu.dma_semaphore, #tpu.memory_space<semaphore_mem>>) src(%arg6 : memref<128x16xf32, #tpu.memory_space<vmem>>) dst(%dma_wait3A_43 : memref<128x16xf32, #tpu.memory_space<vmem_shared>>)
      tpu.yield
    }) : () -> ()
    %add3A_14 = arith.constant 384 : i32
    %add3A_15 = arith.addi %mul3A_7, %add3A_14 : i32
    "tpu.region"() ({
      %run_scoped3A = tpu.sem_alloc : memref<!tpu.dma_semaphore, #tpu.memory_space<semaphore_mem>>
      %dma_start3A = arith.constant 0 : i32
      %dma_start3A_38 = tpu.memref_slice %arg7[%add3A_15, %dma_start3A] : memref<10240x16xf32, #tpu.memory_space<vmem_shared>> -> memref<128x16xf32, #tpu.memory_space<vmem_shared>>
      %dma_start3A_39 = arith.constant 0 : i32
      %dma_start3A_40 = tpu.memref_slice %arg7[%add3A_15, %dma_start3A_39] : memref<10240x16xf32, #tpu.memory_space<vmem_shared>> -> memref<128x16xf32, #tpu.memory_space<vmem_shared>>
      tpu.enqueue_dma source(%arg6 : memref<128x16xf32, #tpu.memory_space<vmem>>) target(%dma_start3A_40 : memref<128x16xf32, #tpu.memory_space<vmem_shared>>) target_semaphore(%run_scoped3A : memref<!tpu.dma_semaphore, #tpu.memory_space<semaphore_mem>>)
      %dma_wait3A = arith.constant 0 : i32
      %dma_wait3A_41 = tpu.memref_slice %arg7[%add3A_15, %dma_wait3A] : memref<10240x16xf32, #tpu.memory_space<vmem_shared>> -> memref<128x16xf32, #tpu.memory_space<vmem_shared>>
      %dma_wait3A_42 = arith.constant 0 : i32
      %dma_wait3A_43 = tpu.memref_slice %arg7[%add3A_15, %dma_wait3A_42] : memref<10240x16xf32, #tpu.memory_space<vmem_shared>> -> memref<128x16xf32, #tpu.memory_space<vmem_shared>>
      tpu.wait_dma2 semaphore(%run_scoped3A : memref<!tpu.dma_semaphore, #tpu.memory_space<semaphore_mem>>) src(%arg6 : memref<128x16xf32, #tpu.memory_space<vmem>>) dst(%dma_wait3A_43 : memref<128x16xf32, #tpu.memory_space<vmem_shared>>)
      tpu.yield
    }) : () -> ()
    %add3A_16 = arith.constant 512 : i32
    %add3A_17 = arith.addi %mul3A_7, %add3A_16 : i32
    "tpu.region"() ({
      %run_scoped3A = tpu.sem_alloc : memref<!tpu.dma_semaphore, #tpu.memory_space<semaphore_mem>>
      %dma_start3A = arith.constant 0 : i32
      %dma_start3A_38 = tpu.memref_slice %arg7[%add3A_17, %dma_start3A] : memref<10240x16xf32, #tpu.memory_space<vmem_shared>> -> memref<128x16xf32, #tpu.memory_space<vmem_shared>>
      %dma_start3A_39 = arith.constant 0 : i32
      %dma_start3A_40 = tpu.memref_slice %arg7[%add3A_17, %dma_start3A_39] : memref<10240x16xf32, #tpu.memory_space<vmem_shared>> -> memref<128x16xf32, #tpu.memory_space<vmem_shared>>
      tpu.enqueue_dma source(%arg6 : memref<128x16xf32, #tpu.memory_space<vmem>>) target(%dma_start3A_40 : memref<128x16xf32, #tpu.memory_space<vmem_shared>>) target_semaphore(%run_scoped3A : memref<!tpu.dma_semaphore, #tpu.memory_space<semaphore_mem>>)
      %dma_wait3A = arith.constant 0 : i32
      %dma_wait3A_41 = tpu.memref_slice %arg7[%add3A_17, %dma_wait3A] : memref<10240x16xf32, #tpu.memory_space<vmem_shared>> -> memref<128x16xf32, #tpu.memory_space<vmem_shared>>
      %dma_wait3A_42 = arith.constant 0 : i32
      %dma_wait3A_43 = tpu.memref_slice %arg7[%add3A_17, %dma_wait3A_42] : memref<10240x16xf32, #tpu.memory_space<vmem_shared>> -> memref<128x16xf32, #tpu.memory_space<vmem_shared>>
      tpu.wait_dma2 semaphore(%run_scoped3A : memref<!tpu.dma_semaphore, #tpu.memory_space<semaphore_mem>>) src(%arg6 : memref<128x16xf32, #tpu.memory_space<vmem>>) dst(%dma_wait3A_43 : memref<128x16xf32, #tpu.memory_space<vmem_shared>>)
      tpu.yield
    }) : () -> ()
    %scan3A_18 = arith.constant 0 : i32
    %scan3A_19 = arith.constant 0 : i32
    %scan3A_20 = arith.constant 128 : i32
    %scan3A_21 = arith.addi %scan3A_19, %scan3A_20 : i32
    %scan3A_22 = arith.constant 1 : i32
    scf.for %scan3A_38 = %scan3A_19 to %scan3A_21 step %scan3A_22  : i32 {
      %broadcast_in_dim3A = arith.constant 1.000000e+00 : f32
      %broadcast_in_dim3A_39 = vector.broadcast %broadcast_in_dim3A : f32 to vector<16xf32>
      %swap3A = arith.index_cast %scan3A_38 : i32 to index
      %swap3A_40 = arith.constant 0 : index
      %swap3A_41 = tpu.vector_load %arg6[%swap3A, %swap3A_40] {strides = array<i32>} : memref<128x16xf32, #tpu.memory_space<vmem>>, vector<1x16xf32>,
      %swap3A_42 = vector.shape_cast %swap3A_41 : vector<1x16xf32> to vector<16xf32>
      %swap3A_43 = vector.shape_cast %broadcast_in_dim3A_39 : vector<16xf32> to vector<1x16xf32>
      tpu.vector_store %arg6[%swap3A, %swap3A_40], %swap3A_43 {strides = array<i32>} : memref<128x16xf32, #tpu.memory_space<vmem>>, vector<1x16xf32>,
    }
    %scan3A_23 = arith.constant 128 : i32
    %barrier3A = arith.constant 0 : index
    tpu.barrier barrier_id(%barrier3A)
    %scan3A_24 = arith.constant 0 : i32
    %scan3A_25 = arith.constant 0 : i32
    %scan3A_26 = arith.constant 79 : i32
    %scan3A_27 = arith.addi %scan3A_25, %scan3A_26 : i32
    %scan3A_28 = arith.constant 1 : i32
    scf.for %scan3A_38 = %scan3A_25 to %scan3A_27 step %scan3A_28  : i32 {
      %mul3A_39 = arith.constant 79 : i32
      %mul3A_40 = arith.muli %add3A, %mul3A_39 : i32
      %add3A_41 = arith.addi %mul3A_40, %scan3A_38 : i32
      %mul3A_42 = arith.constant 128 : i32
      %mul3A_43 = arith.muli %add3A_41, %mul3A_42 : i32
      "tpu.region"() ({
        %run_scoped3A = tpu.sem_alloc : memref<!tpu.dma_semaphore, #tpu.memory_space<semaphore_mem>>
        %dma_start3A = tpu.memref_slice %arg2[%mul3A_43] : memref<323584xi32, #tpu.memory_space<hbm>> -> memref<128xi32, #tpu.memory_space<hbm>>
        %dma_start3A_44 = tpu.memref_slice %arg2[%mul3A_43] : memref<323584xi32, #tpu.memory_space<hbm>> -> memref<128xi32, #tpu.memory_space<hbm>>
        tpu.enqueue_dma source(%dma_start3A_44 : memref<128xi32, #tpu.memory_space<hbm>>) target(%arg5 : memref<128xi32, #tpu.memory_space<vmem>>) target_semaphore(%run_scoped3A : memref<!tpu.dma_semaphore, #tpu.memory_space<semaphore_mem>>)
        %dma_wait3A = tpu.memref_slice %arg2[%mul3A_43] : memref<323584xi32, #tpu.memory_space<hbm>> -> memref<128xi32, #tpu.memory_space<hbm>>
        %dma_wait3A_45 = tpu.memref_slice %arg2[%mul3A_43] : memref<323584xi32, #tpu.memory_space<hbm>> -> memref<128xi32, #tpu.memory_space<hbm>>
        tpu.wait_dma2 semaphore(%run_scoped3A : memref<!tpu.dma_semaphore, #tpu.memory_space<semaphore_mem>>) src(%dma_wait3A_45 : memref<128xi32, #tpu.memory_space<hbm>>) dst(%arg5 : memref<128xi32, #tpu.memory_space<vmem>>)
        tpu.yield
      }) : () -> ()
      "tpu.region"() ({
        %run_scoped3A = tpu.sem_alloc : memref<!tpu.dma_semaphore, #tpu.memory_space<semaphore_mem>>
        %dma_start3A = arith.constant 0 : i32
        %dma_start3A_44 = arith.constant 0 : i32
        %dma_start3A_45 = tpu.memref_slice %arg7[%dma_start3A, %dma_start3A_44] : memref<10240x16xf32, #tpu.memory_space<vmem_shared>> -> memref<10240x16xf32, #tpu.memory_space<vmem_shared>>
        tpu.enqueue_indirect_dma source(%arg6 : memref<128x16xf32, #tpu.memory_space<vmem>>) target(%dma_start3A_45 : memref<10240x16xf32, #tpu.memory_space<vmem_shared>>) offsets(%arg5 : memref<128xi32, #tpu.memory_space<vmem>>) semaphore(%run_scoped3A : memref<!tpu.dma_semaphore, #tpu.memory_space<semaphore_mem>>) {add = true}
        %dma_wait3A = arith.constant 0 : i32
        %dma_wait3A_46 = arith.constant 0 : i32
        %dma_wait3A_47 = tpu.memref_slice %arg7[%dma_wait3A, %dma_wait3A_46] : memref<10240x16xf32, #tpu.memory_space<vmem_shared>> -> memref<10240x16xf32, #tpu.memory_space<vmem_shared>>
        tpu.wait_indirect_dma semaphore(%run_scoped3A : memref<!tpu.dma_semaphore, #tpu.memory_space<semaphore_mem>>) src(%arg6 : memref<128x16xf32, #tpu.memory_space<vmem>>) dst(%dma_wait3A_47 : memref<10240x16xf32, #tpu.memory_space<vmem_shared>>)
        tpu.yield
      }) : () -> ()
    }
    %scan3A_29 = arith.constant 79 : i32
    %barrier3A_30 = arith.constant 0 : index
    tpu.barrier barrier_id(%barrier3A_30)
    %eq3A = arith.constant 0 : i32
    %eq3A_31 = arith.cmpi eq, %arg0, %eq3A : i32
    %convert_element_type3A = arith.extui %eq3A_31 : i1 to i32
    %cond3A = arith.constant 0 : i32
    %cond3A_32 = arith.cmpi ne, %convert_element_type3A, %cond3A : i32
    scf.if %cond3A_32 {
      "tpu.region"() ({
        %run_scoped3A = tpu.sem_alloc : memref<!tpu.dma_semaphore, #tpu.memory_space<semaphore_mem>>
        %dma_start3A = arith.constant 0 : i32
        %dma_start3A_38 = tpu.memref_slice %arg3[%mul3A_7, %dma_start3A] : memref<10240x16xf32, #tpu.memory_space<hbm>> -> memref<640x16xf32, #tpu.memory_space<hbm>>
        %dma_start3A_39 = arith.constant 0 : i32
        %dma_start3A_40 = tpu.memref_slice %arg7[%mul3A_7, %dma_start3A_39] : memref<10240x16xf32, #tpu.memory_space<vmem_shared>> -> memref<640x16xf32, #tpu.memory_space<vmem_shared>>
        tpu.enqueue_dma source(%dma_start3A_40 : memref<640x16xf32, #tpu.memory_space<vmem_shared>>) target(%dma_start3A_38 : memref<640x16xf32, #tpu.memory_space<hbm>>) target_semaphore(%run_scoped3A : memref<!tpu.dma_semaphore, #tpu.memory_space<semaphore_mem>>)
        %dma_wait3A = arith.constant 0 : i32
        %dma_wait3A_41 = tpu.memref_slice %arg3[%mul3A_7, %dma_wait3A] : memref<10240x16xf32, #tpu.memory_space<hbm>> -> memref<640x16xf32, #tpu.memory_space<hbm>>
        %dma_wait3A_42 = arith.constant 0 : i32
        %dma_wait3A_43 = tpu.memref_slice %arg7[%mul3A_7, %dma_wait3A_42] : memref<10240x16xf32, #tpu.memory_space<vmem_shared>> -> memref<640x16xf32, #tpu.memory_space<vmem_shared>>
        tpu.wait_dma2 semaphore(%run_scoped3A : memref<!tpu.dma_semaphore, #tpu.memory_space<semaphore_mem>>) src(%dma_wait3A_43 : memref<640x16xf32, #tpu.memory_space<vmem_shared>>) dst(%dma_wait3A_41 : memref<640x16xf32, #tpu.memory_space<hbm>>)
        tpu.yield
      }) : () -> ()
    } else {
    }
    %eq3A_33 = arith.constant 1 : i32
    %eq3A_34 = arith.cmpi eq, %arg0, %eq3A_33 : i32
    %convert_element_type3A_35 = arith.extui %eq3A_34 : i1 to i32
    %cond3A_36 = arith.constant 0 : i32
    %cond3A_37 = arith.cmpi ne, %convert_element_type3A_35, %cond3A_36 : i32
    scf.if %cond3A_37 {
      "tpu.region"() ({
        %run_scoped3A = tpu.sem_alloc : memref<!tpu.dma_semaphore, #tpu.memory_space<semaphore_mem>>
        %dma_start3A = arith.constant 0 : i32
        %dma_start3A_38 = tpu.memref_slice %arg4[%mul3A_7, %dma_start3A] : memref<10240x16xf32, #tpu.memory_space<hbm>> -> memref<640x16xf32, #tpu.memory_space<hbm>>
        %dma_start3A_39 = arith.constant 0 : i32
        %dma_start3A_40 = tpu.memref_slice %arg7[%mul3A_7, %dma_start3A_39] : memref<10240x16xf32, #tpu.memory_space<vmem_shared>> -> memref<640x16xf32, #tpu.memory_space<vmem_shared>>
        tpu.enqueue_dma source(%dma_start3A_40 : memref<640x16xf32, #tpu.memory_space<vmem_shared>>) target(%dma_start3A_38 : memref<640x16xf32, #tpu.memory_space<hbm>>) target_semaphore(%run_scoped3A : memref<!tpu.dma_semaphore, #tpu.memory_space<semaphore_mem>>)
        %dma_wait3A = arith.constant 0 : i32
        %dma_wait3A_41 = tpu.memref_slice %arg4[%mul3A_7, %dma_wait3A] : memref<10240x16xf32, #tpu.memory_space<hbm>> -> memref<640x16xf32, #tpu.memory_space<hbm>>
        %dma_wait3A_42 = arith.constant 0 : i32
        %dma_wait3A_43 = tpu.memref_slice %arg7[%mul3A_7, %dma_wait3A_42] : memref<10240x16xf32, #tpu.memory_space<vmem_shared>> -> memref<640x16xf32, #tpu.memory_space<vmem_shared>>
        tpu.wait_dma2 semaphore(%run_scoped3A : memref<!tpu.dma_semaphore, #tpu.memory_space<semaphore_mem>>) src(%dma_wait3A_43 : memref<640x16xf32, #tpu.memory_space<vmem_shared>>) dst(%dma_wait3A_41 : memref<640x16xf32, #tpu.memory_space<hbm>>)
        tpu.yield
      }) : () -> ()
    } else {
    }
    return
  }
}

module attributes {stable_mosaic.version = 14 : i64} {
  func.func @body(%arg0: i32, %arg1: memref<1000x128xf32, #tpu.memory_space<vmem>>, %arg2: memref<1000x128xf32, #tpu.memory_space<vmem>>, %arg3: memref<1000x128xf32, #tpu.memory_space<vmem>>, %arg4: memref<1000x16xf32, #tpu.memory_space<vmem>>, %arg5: memref<1000x16xf32, #tpu.memory_space<vmem>>, %arg6: memref<1x128xf32, #tpu.memory_space<vmem>>, %arg7: memref<128x128xf32, #tpu.memory_space<vmem>>, %arg8: memref<1000x128xf32, #tpu.memory_space<vmem>>, %arg9: memref<1000x128xf32, #tpu.memory_space<vmem>>) attributes {dimension_semantics = [#tpu.dimension_semantics<arbitrary>], iteration_bounds = array<i64: 10>, scalar_prefetch = 0 : i64, scratch_operands = 0 : i64, tpu.core_type = #tpu.core_type<tc>, window_params = [{transform_indices = @transform_0, window_bounds = array<i64: 1000, 128>}, {transform_indices = @transform_1, window_bounds = array<i64: 1000, 128>}, {transform_indices = @transform_2, window_bounds = array<i64: 1000, 128>}, {transform_indices = @transform_3, window_bounds = array<i64: 1000, 16>}, {transform_indices = @transform_4, window_bounds = array<i64: 1000, 16>}, {pipeline_mode = #tpu.pipeline_mode<synchronous>, transform_indices = @transform_5, window_bounds = array<i64: 1, 128>}, {pipeline_mode = #tpu.pipeline_mode<synchronous>, transform_indices = @transform_6, window_bounds = array<i64: 128, 128>}, {transform_indices = @transform_7, window_bounds = array<i64: 1000, 128>}, {transform_indices = @transform_8, window_bounds = array<i64: 1000, 128>}]} {
    %get3A = arith.constant 0 : index
    %get3A_0 = arith.constant 0 : index
    %get3A_1 = vector.load %arg4[%get3A, %get3A_0] : memref<1000x16xf32, #tpu.memory_space<vmem>>, vector<1000x16xf32>
    %slice3A = vector.extract_strided_slice %get3A_1 {offsets = [0, 0], sizes = [1000, 1], strides = [1, 1]} : vector<1000x16xf32> to vector<1000x1xf32>
    %get3A_2 = arith.constant 0 : index
    %get3A_3 = arith.constant 0 : index
    %get3A_4 = vector.load %arg5[%get3A_2, %get3A_3] : memref<1000x16xf32, #tpu.memory_space<vmem>>, vector<1000x16xf32>
    %slice3A_5 = vector.extract_strided_slice %get3A_4 {offsets = [0, 0], sizes = [1000, 1], strides = [1, 1]} : vector<1000x16xf32> to vector<1000x1xf32>
    %add3A = arith.addf %slice3A, %slice3A_5 : vector<1000x1xf32>
    %add3A_6 = arith.constant 1.000000e+00 : f32
    %add3A_7 = vector.broadcast %add3A_6 : f32 to vector<1000x1xf32>
    %add3A_8 = arith.addf %add3A, %add3A_7 : vector<1000x1xf32>
    %rsqrt3A = math.rsqrt %add3A_8 : vector<1000x1xf32>
    %get3A_9 = arith.constant 0 : index
    %get3A_10 = arith.constant 0 : index
    %get3A_11 = vector.load %arg1[%get3A_9, %get3A_10] : memref<1000x128xf32, #tpu.memory_space<vmem>>, vector<1000x128xf32>
    %get3A_12 = arith.constant 0 : index
    %get3A_13 = arith.constant 0 : index
    %get3A_14 = vector.load %arg2[%get3A_12, %get3A_13] : memref<1000x128xf32, #tpu.memory_space<vmem>>, vector<1000x128xf32>
    %add3A_15 = arith.addf %get3A_11, %get3A_14 : vector<1000x128xf32>
    %get3A_16 = arith.constant 0 : index
    %get3A_17 = arith.constant 0 : index
    %get3A_18 = vector.load %arg3[%get3A_16, %get3A_17] : memref<1000x128xf32, #tpu.memory_space<vmem>>, vector<1000x128xf32>
    %add3A_19 = arith.addf %add3A_15, %get3A_18 : vector<1000x128xf32>
    %mul3A = vector.broadcast %rsqrt3A : vector<1000x1xf32> to vector<1000x128xf32>
    %mul3A_20 = arith.mulf %add3A_19, %mul3A : vector<1000x128xf32>
    %get3A_21 = arith.constant 0 : index
    %get3A_22 = arith.constant 0 : index
    %get3A_23 = vector.load %arg6[%get3A_21, %get3A_22] : memref<1x128xf32, #tpu.memory_space<vmem>>, vector<1x128xf32>
    %add3A_24 = vector.broadcast %get3A_23 : vector<1x128xf32> to vector<1000x128xf32>
    %add3A_25 = arith.addf %mul3A_20, %add3A_24 : vector<1000x128xf32>
    %tanh3A = math.tanh %add3A_25 : vector<1000x128xf32>
    %swap3A = arith.constant 0 : index
    %swap3A_26 = arith.constant 0 : index
    %swap3A_27 = vector.load %arg8[%swap3A, %swap3A_26] : memref<1000x128xf32, #tpu.memory_space<vmem>>, vector<1000x128xf32>
    tpu.vector_store %arg8[%swap3A, %swap3A_26], %tanh3A {strides = array<i32>} : memref<1000x128xf32, #tpu.memory_space<vmem>>, vector<1000x128xf32>,
    %get3A_28 = arith.constant 0 : index
    %get3A_29 = arith.constant 0 : index
    %get3A_30 = vector.load %arg7[%get3A_28, %get3A_29] : memref<128x128xf32, #tpu.memory_space<vmem>>, vector<128x128xf32>
    %dot_general3A = arith.constant dense<0.000000e+00> : vector<1000x128xf32>
    %dot_general3A_31 = tpu.matmul %tanh3A, %get3A_30, %dot_general3A {dimension_numbers = #tpu.dot_dimension_numbers<[1], [0], [0], [1], [0, 0, 1, 1], [], []>, transpose_lhs_hint = false} : vector<1000x128xf32>, vector<128x128xf32>, vector<1000x128xf32> -> vector<1000x128xf32>
    %mul3A_32 = vector.broadcast %rsqrt3A : vector<1000x1xf32> to vector<1000x128xf32>
    %mul3A_33 = arith.mulf %dot_general3A_31, %mul3A_32 : vector<1000x128xf32>
    %swap3A_34 = arith.constant 0 : index
    %swap3A_35 = arith.constant 0 : index
    %swap3A_36 = vector.load %arg9[%swap3A_34, %swap3A_35] : memref<1000x128xf32, #tpu.memory_space<vmem>>, vector<1000x128xf32>
    tpu.vector_store %arg9[%swap3A_34, %swap3A_35], %mul3A_33 {strides = array<i32>} : memref<1000x128xf32, #tpu.memory_space<vmem>>, vector<1000x128xf32>,
    return
  }
  func.func @transform_0(%arg0: i32) -> (i32, i32) {
    %c0_i32 = arith.constant 0 : i32
    %c0_i32_0 = arith.constant 0 : i32
    return %arg0, %c0_i32 : i32, i32
  }
  func.func @transform_1(%arg0: i32) -> (i32, i32) {
    %c0_i32 = arith.constant 0 : i32
    %c0_i32_0 = arith.constant 0 : i32
    return %arg0, %c0_i32 : i32, i32
  }
  func.func @transform_2(%arg0: i32) -> (i32, i32) {
    %c0_i32 = arith.constant 0 : i32
    %c0_i32_0 = arith.constant 0 : i32
    return %arg0, %c0_i32 : i32, i32
  }
  func.func @transform_3(%arg0: i32) -> (i32, i32) {
    %c0_i32 = arith.constant 0 : i32
    %c0_i32_0 = arith.constant 0 : i32
    return %arg0, %c0_i32 : i32, i32
  }
  func.func @transform_4(%arg0: i32) -> (i32, i32) {
    %c0_i32 = arith.constant 0 : i32
    %c0_i32_0 = arith.constant 0 : i32
    return %arg0, %c0_i32 : i32, i32
  }
  func.func @transform_5(%arg0: i32) -> (i32, i32) {
    %c0_i32 = arith.constant 0 : i32
    %c0_i32_0 = arith.constant 0 : i32
    %c0_i32_1 = arith.constant 0 : i32
    return %c0_i32, %c0_i32_0 : i32, i32
  }
  func.func @transform_6(%arg0: i32) -> (i32, i32) {
    %c0_i32 = arith.constant 0 : i32
    %c0_i32_0 = arith.constant 0 : i32
    %c0_i32_1 = arith.constant 0 : i32
    return %c0_i32, %c0_i32_0 : i32, i32
  }
  func.func @transform_7(%arg0: i32) -> (i32, i32) {
    %c0_i32 = arith.constant 0 : i32
    %c0_i32_0 = arith.constant 0 : i32
    return %arg0, %c0_i32 : i32, i32
  }
  func.func @transform_8(%arg0: i32) -> (i32, i32) {
    %c0_i32 = arith.constant 0 : i32
    %c0_i32_0 = arith.constant 0 : i32
    return %arg0, %c0_i32 : i32, i32
  }
}

module attributes {stable_mosaic.version = 14 : i64} {
  func.func @body(%arg0: i32, %arg1: memref<1000x128xf32, #tpu.memory_space<vmem>>, %arg2: memref<128x128xf32, #tpu.memory_space<vmem>>, %arg3: memref<1000x16xf32, #tpu.memory_space<vmem>>, %arg4: memref<1000x16xf32, #tpu.memory_space<vmem>>, %arg5: memref<1000x128xf32, #tpu.memory_space<vmem>>) attributes {dimension_semantics = [#tpu.dimension_semantics<arbitrary>], iteration_bounds = array<i64: 10>, scalar_prefetch = 0 : i64, scratch_operands = 0 : i64, tpu.core_type = #tpu.core_type<tc>, window_params = [{transform_indices = @transform_0, window_bounds = array<i64: 1000, 128>}, {pipeline_mode = #tpu.pipeline_mode<synchronous>, transform_indices = @transform_1, window_bounds = array<i64: 128, 128>}, {transform_indices = @transform_2, window_bounds = array<i64: 1000, 16>}, {transform_indices = @transform_3, window_bounds = array<i64: 1000, 16>}, {transform_indices = @transform_4, window_bounds = array<i64: 1000, 128>}]} {
    %get3A = arith.constant 0 : index
    %get3A_0 = arith.constant 0 : index
    %get3A_1 = vector.load %arg3[%get3A, %get3A_0] : memref<1000x16xf32, #tpu.memory_space<vmem>>, vector<1000x16xf32>
    %slice3A = vector.extract_strided_slice %get3A_1 {offsets = [0, 0], sizes = [1000, 1], strides = [1, 1]} : vector<1000x16xf32> to vector<1000x1xf32>
    %get3A_2 = arith.constant 0 : index
    %get3A_3 = arith.constant 0 : index
    %get3A_4 = vector.load %arg4[%get3A_2, %get3A_3] : memref<1000x16xf32, #tpu.memory_space<vmem>>, vector<1000x16xf32>
    %slice3A_5 = vector.extract_strided_slice %get3A_4 {offsets = [0, 0], sizes = [1000, 1], strides = [1, 1]} : vector<1000x16xf32> to vector<1000x1xf32>
    %add3A = arith.addf %slice3A, %slice3A_5 : vector<1000x1xf32>
    %add3A_6 = arith.constant 1.000000e+00 : f32
    %add3A_7 = vector.broadcast %add3A_6 : f32 to vector<1000x1xf32>
    %add3A_8 = arith.addf %add3A, %add3A_7 : vector<1000x1xf32>
    %rsqrt3A = math.rsqrt %add3A_8 : vector<1000x1xf32>
    %get3A_9 = arith.constant 0 : index
    %get3A_10 = arith.constant 0 : index
    %get3A_11 = vector.load %arg1[%get3A_9, %get3A_10] : memref<1000x128xf32, #tpu.memory_space<vmem>>, vector<1000x128xf32>
    %get3A_12 = arith.constant 0 : index
    %get3A_13 = arith.constant 0 : index
    %get3A_14 = vector.load %arg2[%get3A_12, %get3A_13] : memref<128x128xf32, #tpu.memory_space<vmem>>, vector<128x128xf32>
    %dot_general3A = arith.constant dense<0.000000e+00> : vector<1000x128xf32>
    %dot_general3A_15 = tpu.matmul %get3A_11, %get3A_14, %dot_general3A {dimension_numbers = #tpu.dot_dimension_numbers<[1], [0], [0], [1], [0, 0, 1, 1], [], []>, transpose_lhs_hint = false} : vector<1000x128xf32>, vector<128x128xf32>, vector<1000x128xf32> -> vector<1000x128xf32>
    %mul3A = vector.broadcast %rsqrt3A : vector<1000x1xf32> to vector<1000x128xf32>
    %mul3A_16 = arith.mulf %dot_general3A_15, %mul3A : vector<1000x128xf32>
    %swap3A = arith.constant 0 : index
    %swap3A_17 = arith.constant 0 : index
    %swap3A_18 = vector.load %arg5[%swap3A, %swap3A_17] : memref<1000x128xf32, #tpu.memory_space<vmem>>, vector<1000x128xf32>
    tpu.vector_store %arg5[%swap3A, %swap3A_17], %mul3A_16 {strides = array<i32>} : memref<1000x128xf32, #tpu.memory_space<vmem>>, vector<1000x128xf32>,
    return
  }
  func.func @transform_0(%arg0: i32) -> (i32, i32) {
    %c0_i32 = arith.constant 0 : i32
    %c0_i32_0 = arith.constant 0 : i32
    return %arg0, %c0_i32 : i32, i32
  }
  func.func @transform_1(%arg0: i32) -> (i32, i32) {
    %c0_i32 = arith.constant 0 : i32
    %c0_i32_0 = arith.constant 0 : i32
    %c0_i32_1 = arith.constant 0 : i32
    return %c0_i32, %c0_i32_0 : i32, i32
  }
  func.func @transform_2(%arg0: i32) -> (i32, i32) {
    %c0_i32 = arith.constant 0 : i32
    %c0_i32_0 = arith.constant 0 : i32
    return %arg0, %c0_i32 : i32, i32
  }
  func.func @transform_3(%arg0: i32) -> (i32, i32) {
    %c0_i32 = arith.constant 0 : i32
    %c0_i32_0 = arith.constant 0 : i32
    return %arg0, %c0_i32 : i32, i32
  }
  func.func @transform_4(%arg0: i32) -> (i32, i32) {
    %c0_i32 = arith.constant 0 : i32
    %c0_i32_0 = arith.constant 0 : i32
    return %arg0, %c0_i32 : i32, i32
  }
}

module attributes {stable_mosaic.version = 14 : i64} {
  func.func @body(%arg0: i32, %arg1: memref<1000x128xf32, #tpu.memory_space<vmem>>, %arg2: memref<1000x128xf32, #tpu.memory_space<vmem>>, %arg3: memref<1000x128xf32, #tpu.memory_space<vmem>>, %arg4: memref<1000x16xf32, #tpu.memory_space<vmem>>, %arg5: memref<1000x16xf32, #tpu.memory_space<vmem>>, %arg6: memref<1x128xf32, #tpu.memory_space<vmem>>, %arg7: memref<1000x128xf32, #tpu.memory_space<vmem>>, %arg8: memref<1000x2x128xf32, #tpu.memory_space<vmem>>) attributes {dimension_semantics = [#tpu.dimension_semantics<arbitrary>], iteration_bounds = array<i64: 10>, scalar_prefetch = 0 : i64, scratch_operands = 0 : i64, tpu.core_type = #tpu.core_type<tc>, window_params = [{transform_indices = @transform_0, window_bounds = array<i64: 1000, 128>}, {transform_indices = @transform_1, window_bounds = array<i64: 1000, 128>}, {transform_indices = @transform_2, window_bounds = array<i64: 1000, 128>}, {transform_indices = @transform_3, window_bounds = array<i64: 1000, 16>}, {transform_indices = @transform_4, window_bounds = array<i64: 1000, 16>}, {pipeline_mode = #tpu.pipeline_mode<synchronous>, transform_indices = @transform_5, window_bounds = array<i64: 1, 128>}, {transform_indices = @transform_6, window_bounds = array<i64: 1000, 128>}, {transform_indices = @transform_7, window_bounds = array<i64: 1000, 2, 128>}]} {
    %get3A = arith.constant 0 : index
    %get3A_0 = arith.constant 0 : index
    %get3A_1 = vector.load %arg4[%get3A, %get3A_0] : memref<1000x16xf32, #tpu.memory_space<vmem>>, vector<1000x16xf32>
    %slice3A = vector.extract_strided_slice %get3A_1 {offsets = [0, 0], sizes = [1000, 1], strides = [1, 1]} : vector<1000x16xf32> to vector<1000x1xf32>
    %get3A_2 = arith.constant 0 : index
    %get3A_3 = arith.constant 0 : index
    %get3A_4 = vector.load %arg5[%get3A_2, %get3A_3] : memref<1000x16xf32, #tpu.memory_space<vmem>>, vector<1000x16xf32>
    %slice3A_5 = vector.extract_strided_slice %get3A_4 {offsets = [0, 0], sizes = [1000, 1], strides = [1, 1]} : vector<1000x16xf32> to vector<1000x1xf32>
    %add3A = arith.addf %slice3A, %slice3A_5 : vector<1000x1xf32>
    %add3A_6 = arith.constant 1.000000e+00 : f32
    %add3A_7 = vector.broadcast %add3A_6 : f32 to vector<1000x1xf32>
    %add3A_8 = arith.addf %add3A, %add3A_7 : vector<1000x1xf32>
    %rsqrt3A = math.rsqrt %add3A_8 : vector<1000x1xf32>
    %get3A_9 = arith.constant 0 : index
    %get3A_10 = arith.constant 0 : index
    %get3A_11 = vector.load %arg1[%get3A_9, %get3A_10] : memref<1000x128xf32, #tpu.memory_space<vmem>>, vector<1000x128xf32>
    %get3A_12 = arith.constant 0 : index
    %get3A_13 = arith.constant 0 : index
    %get3A_14 = vector.load %arg2[%get3A_12, %get3A_13] : memref<1000x128xf32, #tpu.memory_space<vmem>>, vector<1000x128xf32>
    %add3A_15 = arith.addf %get3A_11, %get3A_14 : vector<1000x128xf32>
    %get3A_16 = arith.constant 0 : index
    %get3A_17 = arith.constant 0 : index
    %get3A_18 = vector.load %arg3[%get3A_16, %get3A_17] : memref<1000x128xf32, #tpu.memory_space<vmem>>, vector<1000x128xf32>
    %add3A_19 = arith.addf %add3A_15, %get3A_18 : vector<1000x128xf32>
    %mul3A = vector.broadcast %rsqrt3A : vector<1000x1xf32> to vector<1000x128xf32>
    %mul3A_20 = arith.mulf %add3A_19, %mul3A : vector<1000x128xf32>
    %get3A_21 = arith.constant 0 : index
    %get3A_22 = arith.constant 0 : index
    %get3A_23 = vector.load %arg6[%get3A_21, %get3A_22] : memref<1x128xf32, #tpu.memory_space<vmem>>, vector<1x128xf32>
    %add3A_24 = vector.broadcast %get3A_23 : vector<1x128xf32> to vector<1000x128xf32>
    %add3A_25 = arith.addf %mul3A_20, %add3A_24 : vector<1000x128xf32>
    %tanh3A = math.tanh %add3A_25 : vector<1000x128xf32>
    %get3A_26 = arith.constant 0 : index
    %get3A_27 = arith.constant 0 : index
    %get3A_28 = vector.load %arg7[%get3A_26, %get3A_27] : memref<1000x128xf32, #tpu.memory_space<vmem>>, vector<1000x128xf32>
    %swap3A = arith.constant 0 : index
    %swap3A_29 = arith.constant 0 : index
    %swap3A_30 = arith.constant 0 : index
    %swap3A_31 = vector.load %arg8[%swap3A, %swap3A_29, %swap3A_30] : memref<1000x2x128xf32, #tpu.memory_space<vmem>>, vector<1000x1x128xf32>
    %swap3A_32 = vector.shape_cast %swap3A_31 : vector<1000x1x128xf32> to vector<1000x128xf32>
    %swap3A_33 = vector.shape_cast %get3A_28 : vector<1000x128xf32> to vector<1000x1x128xf32>
    tpu.vector_store %arg8[%swap3A, %swap3A_29, %swap3A_30], %swap3A_33 {strides = array<i32>} : memref<1000x2x128xf32, #tpu.memory_space<vmem>>, vector<1000x1x128xf32>,
    %swap3A_34 = arith.constant 0 : index
    %swap3A_35 = arith.constant 1 : index
    %swap3A_36 = arith.constant 0 : index
    %swap3A_37 = vector.load %arg8[%swap3A_34, %swap3A_35, %swap3A_36] : memref<1000x2x128xf32, #tpu.memory_space<vmem>>, vector<1000x1x128xf32>
    %swap3A_38 = vector.shape_cast %swap3A_37 : vector<1000x1x128xf32> to vector<1000x128xf32>
    %swap3A_39 = vector.shape_cast %tanh3A : vector<1000x128xf32> to vector<1000x1x128xf32>
    tpu.vector_store %arg8[%swap3A_34, %swap3A_35, %swap3A_36], %swap3A_39 {strides = array<i32>} : memref<1000x2x128xf32, #tpu.memory_space<vmem>>, vector<1000x1x128xf32>,
    return
  }
  func.func @transform_0(%arg0: i32) -> (i32, i32) {
    %c0_i32 = arith.constant 0 : i32
    %c0_i32_0 = arith.constant 0 : i32
    return %arg0, %c0_i32 : i32, i32
  }
  func.func @transform_1(%arg0: i32) -> (i32, i32) {
    %c0_i32 = arith.constant 0 : i32
    %c0_i32_0 = arith.constant 0 : i32
    return %arg0, %c0_i32 : i32, i32
  }
  func.func @transform_2(%arg0: i32) -> (i32, i32) {
    %c0_i32 = arith.constant 0 : i32
    %c0_i32_0 = arith.constant 0 : i32
    return %arg0, %c0_i32 : i32, i32
  }
  func.func @transform_3(%arg0: i32) -> (i32, i32) {
    %c0_i32 = arith.constant 0 : i32
    %c0_i32_0 = arith.constant 0 : i32
    return %arg0, %c0_i32 : i32, i32
  }
  func.func @transform_4(%arg0: i32) -> (i32, i32) {
    %c0_i32 = arith.constant 0 : i32
    %c0_i32_0 = arith.constant 0 : i32
    return %arg0, %c0_i32 : i32, i32
  }
  func.func @transform_5(%arg0: i32) -> (i32, i32) {
    %c0_i32 = arith.constant 0 : i32
    %c0_i32_0 = arith.constant 0 : i32
    %c0_i32_1 = arith.constant 0 : i32
    return %c0_i32, %c0_i32_0 : i32, i32
  }
  func.func @transform_6(%arg0: i32) -> (i32, i32) {
    %c0_i32 = arith.constant 0 : i32
    %c0_i32_0 = arith.constant 0 : i32
    return %arg0, %c0_i32 : i32, i32
  }
  func.func @transform_7(%arg0: i32) -> (i32, i32, i32) {
    %c0_i32 = arith.constant 0 : i32
    %c0_i32_0 = arith.constant 0 : i32
    %c0_i32_1 = arith.constant 0 : i32
    return %arg0, %c0_i32, %c0_i32_0 : i32, i32, i32
  }
}

</mosaic_0001>

<sc_bundles>
// kernel: kernel.11.cloned.1.call-start
scs
__scs_entry_jumppad:
0x0: {  	(pc) =	sbr.rel $0x88, $3  }
0x1: {  	(tag) =	ssettag $0x0;
	lr =	simm.s32 $0x1  }
0x2: {  	[smem:$0x3F9B] =	sst lr;
	_ =	strace $0xD0000000  }
0x3: {  	_ = 	snop  }
0x4: {  	_ = 	snop  }
0x5: {  	_ = 	snop  }
0x6: {  	_ = 	snop  }
0x7: {  	_ = 	snop  }
__scs_overlays_trampoline_lowered:
0x8: {  	[smem:$0x3FAA] =	sst s0  }
0x9: {  	[smem:$0x3FAB] =	sst s1  }
0xa: {  	[smem:$0x3FAC] =	sst s2  }
0xb: {  	[smem:$0x3FAD] =	sst s3  }
0xc: {  	[smem:$0x3FAE] =	sst s4  }
0xd: {  	[smem:$0x3FAF] =	sst s5  }
0xe: {  	[smem:$0x3FB0] =	sst s6  }
0xf: {  	[smem:$0x3FB1] =	sst s7  }
0x10: {  	[smem:$0x3FB2] =	sst s8  }
0x11: {  	[smem:$0x3FB3] =	sst s9;
	s0 =	simm.s32 @!p0 $0x0  }
0x12: {  	s1 =	sld [smem:$0x3F99];
	s0 =	simm.s32 @p0 $0x1  }
0x13: {  	[smem:$0x3FB4] =	sst s0;
	s0 =	simm.s32 @!p1 $0x0  }
0x14: {  	s2 =	sld [smem:$0x3F98];
	s0 =	simm.s32 @p1 $0x1  }
0x15: {  	[smem:$0x3FB5] =	sst s0;
	s0 =	simm.s32 @!p2 $0x0  }
0x16: {  	s3 =	sld [smem:$0x3FDB];
	s0 =	simm.s32 @p2 $0x1  }
0x17: {  	s4 =	simm.s32 $0x1BF5;
	[smem:$0x3FB7] =	sst s0  }
0x18: {  	s0 =	sld [smem:$0x3F9A];
	_ =	swait.ge [sflag:s4], $0x0  }
0x19: {  	s7 =	sld [smem:$0x3F9B]  }
0x1a: {  	s8 =	sadd.s32 $0xFFFFE003, lr  }
0x1b: {  	s9 =	sadd.s32 $0xFFFFFEF7, lr;
	s5 =	simm.s32 $0xFFFFFFFF;
	p2 =	slt.u32 s8, $0xFFFFF086  }
0x1c: {  	p1 =	slt.u32 s9, $0xF7A;
	s5 =	simm.s32 @!p2 $0x0  }
0x1d: {  	s5 =	simm.s32 @p1 $0x1;
	p0 =	seq.s32 s7, s2  }
0x1e: {  	s7 =	smul.u32 @!p0 $0xF7A, s2;
	p2 =	seq.s32 @!p0 s5, $0x0  }
0x1f: {  	s9 =	smul.u32 $0xF7A, s1;
	s8 =	simm.s32 @!p0 $0x1BF5;
	p2 =	por !p2, p0  }
0x20: {  	[sflag:s8] =	ssyncset.s32 @!p0 $0xFFFFF086;
	s6 =	sadd.s32 @!p0 s3, s7;
	s7 =	simm.s32 @!p0 $0x108  }
0x21: {  	s3 =	sadd.s32 s3, s9;
	s6 =	sadd.s32 @!p0 $0x88, s6;
	s7 =	simm.s32 @p2 $0x1082  }
0x22: {  	[simem:s7], [sflag:s8] =	dma.local @!p0 [hbm:s6], $0xF7A  }
0x23: {  	s9 =	sor.u32 $0xD0000000, s2;
	s6 =	simm.s32 $0x108;
	_ =	swait.ge @!p0 [sflag:s8], $0x0  }
0x24: {  	s3 =	sadd.s32 $0x88, s3;
	s6 =	simm.s32 @!p1 $0x1082;
	[sflag:s4] =	ssyncset.s32 $0xFFFFF086  }
0x25: {  	[simem:s6], [sflag:s4] =	dma.local [hbm:s3], $0xF7A  }
0x26: {  	[smem:$0x3F9B] =	sst s1;
	(tag) =	ssettag s2;
	_ =	strace s9  }
0x27: {  	s1 =	sld [smem:$0x3FAB]  }
0x28: {  	s2 =	sld [smem:$0x3FAC]  }
0x29: {  	s4 =	sld [smem:$0x3FAE]  }
0x2a: {  	p0 =	seq.s32 s5, $0x0;
	s5 =	sld [smem:$0x3FAF]  }
0x2b: {  	s6 =	sld [smem:$0x3FB0]  }
0x2c: {  	s7 =	sld [smem:$0x3FB1]  }
0x2d: {  	s3 =	simm.s32 $0x108;
	s8 =	sld [smem:$0x3FB2]  }
0x2e: {  	s3 =	simm.s32 @!p0 $0x1082;
	s9 =	sld [smem:$0x3FB3]  }
0x2f: {  	lr =	sadd.s32 s0, s3;
	s0 =	sld [smem:$0x3FAA]  }
0x30: {  	s3 =	sld [smem:$0x3FAD]  }
0x31: {  	[smem:$0x3FB6] =	sst s10  }
0x32: {  	s10 =	sld [smem:$0x3FB4];
	_ =	sdelay $0x3  }
0x33: {  	p0 =	seq.s32 s10, $0x1;
	s10 =	sld [smem:$0x3FB6];
	_ =	sdelay $0x3  }
0x34: {  	[smem:$0x3FB6] =	sst s10  }
0x35: {  	s10 =	sld [smem:$0x3FB5];
	_ =	sdelay $0x3  }
0x36: {  	p1 =	seq.s32 s10, $0x1;
	s10 =	sld [smem:$0x3FB6];
	_ =	sdelay $0x3  }
0x37: {  	[smem:$0x3FB6] =	sst s10  }
0x38: {  	s10 =	sld [smem:$0x3FB7]  }
0x39: {  	_ = 	snop;
	(pc) =	sbr.ind lr, $3  }
0x3a: {  	_ = 	snop  }
0x3b: {  	_ = 	snop  }
0x3c: {  	p2 =	seq.s32 s10, $0x1;
	s10 =	sld [smem:$0x3FB6]  }
0x3d: {  	_ =	shalt  }
0x3e: {  	_ =	shalt  }
0x3f: {  	_ =	shalt  }
0x40: {  	_ =	shalt  }
0x41: {  	_ =	shalt  }
0x42: {  	_ =	shalt  }
0x43: {  	_ =	shalt  }
0x44: {  	_ =	shalt  }
0x45: {  	_ =	shalt  }
0x46: {  	_ =	shalt  }
0x47: {  	_ =	shalt  }
0x48: {  	_ =	shalt  }
0x49: {  	_ =	shalt  }
0x4a: {  	_ =	shalt  }
0x4b: {  	_ =	shalt  }
0x4c: {  	_ =	shalt  }
0x4d: {  	_ =	shalt  }
0x4e: {  	_ =	shalt  }
0x4f: {  	_ =	shalt  }
0x50: {  	_ =	shalt  }
0x51: {  	_ =	shalt  }
0x52: {  	_ =	shalt  }
0x53: {  	_ =	shalt  }
0x54: {  	_ =	shalt  }
0x55: {  	_ =	shalt  }
0x56: {  	_ =	shalt  }
0x57: {  	_ =	shalt  }
0x58: {  	_ =	shalt  }
0x59: {  	_ =	shalt  }
0x5a: {  	_ =	shalt  }
0x5b: {  	_ =	shalt  }
0x5c: {  	_ =	shalt  }
0x5d: {  	_ =	shalt  }
0x5e: {  	_ =	shalt  }
0x5f: {  	_ =	shalt  }
0x60: {  	_ =	shalt  }
0x61: {  	_ =	shalt  }
0x62: {  	_ =	shalt  }
0x63: {  	_ =	shalt  }
0x64: {  	_ =	shalt  }
0x65: {  	_ =	shalt  }
0x66: {  	_ =	shalt  }
0x67: {  	_ =	shalt  }
0x68: {  	_ =	shalt  }
0x69: {  	_ =	shalt  }
0x6a: {  	_ =	shalt  }
0x6b: {  	_ =	shalt  }
0x6c: {  	_ =	shalt  }
0x6d: {  	_ =	shalt  }
0x6e: {  	_ =	shalt  }
0x6f: {  	_ =	shalt  }
0x70: {  	_ =	shalt  }
0x71: {  	_ =	shalt  }
0x72: {  	_ =	shalt  }
0x73: {  	_ =	shalt  }
0x74: {  	_ =	shalt  }
0x75: {  	_ =	shalt  }
0x76: {  	_ =	shalt  }
0x77: {  	_ =	shalt  }
0x78: {  	_ =	shalt  }
0x79: {  	_ =	shalt  }
0x7a: {  	_ =	shalt  }
0x7b: {  	_ =	shalt  }
0x7c: {  	_ =	shalt  }
0x7d: {  	_ =	shalt  }
0x7e: {  	_ =	shalt  }
0x7f: {  	_ =	shalt  }
0x80: {  	_ =	shalt  }
0x81: {  	_ =	shalt  }
0x82: {  	_ =	shalt  }
0x83: {  	_ =	shalt  }
0x84: {  	_ =	shalt  }
0x85: {  	_ =	shalt  }
0x86: {  	_ =	shalt  }
0x87: {  	_ =	shalt  }
.Lfunc_end0:
.L_simem_size_0:
called_computation.1_lowered:
.L_overlay_start_0:
0x88: {  	s2 =	sld [smem:$0x3FD9]  }
0x89: {  	s3 =	sld [smem:$0x3FFE];
	_ =	sdelay $0x1  }
0x8a: {  	s1 =	srdreg.scid  }
0x8b: {  	s0 =	sand.u32 $0x1, s1  }
0x8c: {  	s17 =	sshll.u32 s0, $0xA;
	s2 =	sadd.s32 s3, s2  }
0x8d: {  	s2 =	sadd.s32 s2, s17  }
0x8e: {  	[smem:$0x3FC2] =	sst s2  }
0x8f: {  	_ = 	snop  }
0x90: {  	s2 =	sld [smem:$0x3FD0];
	(tm) =	ssettm $0x1  }
0x91: {  	s18 =	sld [smem:$0x3FFB];
	_ =	sdelay $0x3  }
0x92: {  	_ =	strace s18  }
0x93: {  	s3 =	sld [smem:$0x3FFC];
	_ =	sdelay $0x3  }
0x94: {  	_ =	strace s3  }
0x95: {  	s3 =	sld [smem:$0x3FFD];
	_ =	sdelay $0x3  }
0x96: {  	_ =	strace s3  }
0x97: {  	_ =	strace $0x8FFFFFFF  }
0x98: {  	s19 =	sld [smem:$0x3FDB];
	_ =	sdelay $0x1  }
0x99: {  	s4 =	simm.s32 $_scs_section_size  }
0x9a: {  	s5 =	simm.s32 $_size__tile_overlayer_lowered;
	s6 =	simm.s32 $_tile_overlayer_lowered  }
0x9b: {  	s22 =	simm.s32 $0x1BFF;
	s21 =	sshll.u32 s6, $0x1;
	s3 =	sadd.s32 s4, s19  }
0x9c: {  	s7 =	simm.s32 $0x0;
	s20 =	sshll.u32 s5, $0x1;
	s5 =	sadd.s32 s21, s3  }
0x9d: {  	[timem:s7], [sflag:s22] =	dma.local [hbm:s5], s20  }
0x9e: {  	_ =	swait.ge [sflag:s22], s20  }
0x9f: {  	s4 =	ssub.s32 $0x0, s20;
	[sflag:s22] =	ssyncset.done $0x0  }
0xa0: {  	[sflag:s22] =	ssyncadd.s32 s4;
	_ =	sdelay $0x1  }
0xa1: {  	s23 =	simm.s32 $0x1B8B  }
0xa2: {  	_ =	swait.ge [sflag:s23], $0x1  }
0xa3: {  	[sflag:s23] =	ssyncset.done $0x0  }
0xa4: {  	s25 =	simm.s32 $0x1B8E;
	s24 =	sld [smem:$0x3FFE];
	[sflag:s23] =	ssyncadd.s32 $0xFFFFFFFF  }
0xa5: {  	s26 =	simm.s32 $execute0_lowered;
	[smem:$0x3FD2] =	sst s25  }
0xa6: {  	s5 =	sshll.u32 s26, $0x1;
	_ =	strace $0x80000049;
	[dreg:$0x1] =	wrdreg $0xFFFFFFFF  }
0xa7: {  	s28 =	simm.s32 $_size_execute0_lowered;
	s3 =	sadd.s32 s3, s5;
	[dreg:$0x0] =	wrdreg $0x0  }
0xa8: {  	s5 =	sshll.u32 s28, $0x1;
	[dreg:$0x2] =	wrdreg s3  }
0xa9: {  	[dreg:$0x3] =	wrdreg s5  }
0xaa: {  	[dreg:$0x4] =	wrdreg $0xC0  }
0xab: {  	_ =	task [dreg:s7], $0x5FFFF  }
0xac: {  	[dreg:$0x1] =	wrdreg $0xFFFFFFFF  }
0xad: {  	[dreg:$0x0] =	wrdreg $0x60  }
0xae: {  	[dreg:$0x2] =	wrdreg s24  }
0xaf: {  	[dreg:$0x3] =	wrdreg s2  }
0xb0: {  	[dreg:$0x4] =	wrdreg $0x41000  }
0xb1: {  	[dreg:$0x5] =	wrdreg $0x9  }
0xb2: {  	_ =	task.clear_ibuf [dreg:s7], $0x6FFFF;
	_ =	strace $0x90000049  }
0xb3: {  	s29 =	simm.s32 $0x9;
	_ =	strace $0x8000004B  }
0xb4: {  	_ =	swait.ge [sflag:s29], $0x1  }
0xb5: {  	[sflag:s29] =	ssyncadd.s32 $0xFFFFFFFF  }
0xb6: {  	_ =	strace $0x9000004B  }
0xb7: {  	_ =	sfence  }
0xb8: {  	s30 =	sld [smem:$0x0];
	_ =	sdelay $0x2  }
0xb9: {  	s31 =	sshll.u32 s1, $0xD;
	s1 =	sshrl.u32 s1, $0x2  }
0xba: {  	s3 =	sand.u32 $0x4000, s31;
	s1 =	sadd.s32 s1, s30  }
0xbb: {  	s0 =	sor.u32 s3, s0;
	s1 =	sshll.u32 s1, $0x11  }
0xbc: {  	s0 =	sor.u32 s1, s0  }
0xbd: {  	s0 =	sadd.s32 $0x8F2B, s0  }
0xbe: {  	[sflag:s0] =	ssyncadd.remote.s32 $0x1  }
0xbf: {  	_ =	sfence.sel $0xFFFF  }
0xc0: {  	[dreg:$0x0] =	wrdreg $0xFFFFFFFF;
	(pc) =	sbr.abs _section_cstart, $3  }
0xc1: {  	[dreg:$0x1] =	wrdreg $0xFFFFFFFF  }
0xc2: {  	_ =	task.clear_ibuf [dreg:s7], $0x2FFFF;
	_ =	strace $0x9FFFFFFF  }
0xc3: {  	(tm) =	ssettm $0x7FFFFFFF  }
tec
execute0_lowered:
.L_overlay_start_1:
0x0: {  	(tag) =	ssettag $0x1  }
0x1: {  	s6 =	rddreg [dreg:$0x0]  }
0x2: {  	s1 =	rddreg [dreg:$0x1]  }
0x3: {  	s3 =	rddreg [dreg:$0x2]  }
0x4: {  	s0 =	rddreg [dreg:$0x3];
	s4 =	simm.s32 $0x0  }
0x5: {  	s2 =	stileid.u32;
	s7 =	srdreg.scid;
	s20 =	simm.s32 $0x80  }
0x6: {  	s21 =	simm.s32 $0x1;
	s22 =	simm.s32 $0x0;
	s8 =	smul.u32 $0x50000, s2  }
0x7: {  	[smem:$0x7FF] =	sst s4;
	s5 =	sadd.s32 $0x67000, s6;
	s15 =	smul.u32 $0x370, s2  }
0x8: {  	s17 =	sadd.s32 $0x5D200, s6;
	s18 =	sand.u32 $0x1, s7;
	s11 =	smul.u32 $0x2800, s2  }
0x9: {  	s16 =	sadd.s32 $0x3400, s6;
	s6 =	sadd.s32 $0x8E200, s6;
	s19 =	smul.u32 $0x670, s2  }
0xa: {  	_ =	strace $0x8000004A;
	s9 =	ssub.s32 $0x2, s18;
	p0 =	sne.s32 s18, $0x0  }
0xb: {  	s18 =	simm.s32 $0x100;
	s30 =	sshrl.u32 s8, $0x2;
	s31 =	sshrl.u32 s9, $0x1  }
.Ltmp0:
0xc: {  	s14 =	sadd.s32 s15, s16;
	s15 =	sadd.s32 s15, s17;
	(pc) =	sbr.rel .LBB2_1-.Ltmp0, $4  }
0xd: {  	s16 =	sadd.s32 s19, s16;
	s17 =	sadd.s32 s19, s17;
	s19 =	simm.s32 $0x2  }
0xe: {  	s7 =	sadd.s32 s30, s3;
	s13 =	ssub.s32 s9, s31;
	s14 =	sadd.s32 $0x6700, s14  }
0xf: {  	s15 =	sadd.s32 $0x6700, s15;
	s8 =	sadd.s32 $0x4000, s7;
	s9 =	sadd.s32 $0x8000, s7  }
0x10: {  	v0 =	vimm.f32 $0.0e+00;
	s10 =	sadd.s32 $0xC000, s7;
	s12 =	sadd.s32 $0x10000, s7;
	s13 =	smax.u32 s13, $0x1  }
.LBB2_9:
0x11: {  	s24 =	sadd.s32 s23, s15;
	[sflag:s19] =	ssyncadd.s32 $0xFFFFC000  }
0x12: {  	[tilespmem:s4], [sflag:$0x2] =	stream.linear.gather [hbm4b:s24+s4], $0x80, $0x38;
	[tilespmem:$0x18100] =	vst v63  }
0x13: {  	_ =	swait.ge [sflag:s19], $0x80  }
0x14: {  	[sflag:s19] =	ssyncset.done $0x0  }
0x15: {  	s31 =	sadd.s32 s23, s14;
	[sflag:s19] =	ssyncadd.s32 $0xFFFFFF80  }
0x16: {  	[tilespmem:s20], [sflag:$0x2] =	stream.linear.gather [hbm4b:s31+s4], $0x80, $0x38;
	[tilespmem:$0x18100] =	vst v63  }
0x17: {  	_ =	swait.ge [sflag:s19], $0x80  }
0x18: {  	[sflag:s19] =	ssyncset.done $0x0  }
0x19: {  	[sflag:s19] =	ssyncadd.s32 $0xFFFFFF80  }
0x1a: {  	[tilespmem:s18], [sflag:$0x1] =	stream.indirect.gather [hbm4b:s5+s20], $0x80, s4, s20, $0xb8;
	[tilespmem:$0x18100] =	vst v63  }
0x1b: {  	_ =	swait.ge [sflag:s21], $0x4000  }
0x1c: {  	[sflag:s21] =	ssyncset.done $0x0  }
0x1d: {  	[sflag:s21] =	ssyncadd.s32 $0xFFFFC000  }
0x1e: {  	[spmem:s3] =	stream.indirect.scatter.add.f32 [tilespmem:s18], [sflag:$0x2], $0x80, s20, s20, $0xb8;
	[tilespmem:$0x18100] =	vst v63  }
0x1f: {  	_ =	swait.ge [sflag:s19], $0x4000  }
0x20: {  	[sflag:s19] =	ssyncset.done $0x0  }
0x21: {  	s23 =	smov.u32 s6;
	[sflag:s19] =	ssyncadd.s32 $0xFFFFC000  }
.LBB2_10:
0x22: {  	s23 =	sadd.s32 s23, s11;
	s22 =	sadd.s32 $0x1, s22  }
0x23: {  	s24 =	sshll.u32 s2, $0x6;
	[bflag:$0x0] =	sbarrier.arrive $0xFFFF;
	p1 =	sne.s32 s22, s13  }
.Ltmp1:
0x24: {  	s25 =	sshrl.u32 s7, $0x3;
	s24 =	sor.u32 $0x1C02, s24;
	(pc) =	sbr.rel @!p1 .LBB2_11-.Ltmp1, $4  }
0x25: {  	[hbm:s23], [sflag:s24] =	dma.local [spmem:s25], $0x2800  }
0x26: {  	_ =	swait.ge [sflag:s19], $0x2800  }
0x27: {  	[sflag:s19] =	ssyncset.done $0x0  }
0x28: {  	[sflag:s19] =	ssyncadd.s32 $0xFFFFD800  }
.LBB2_1:
0x29: {  	s23 =	simm.s32 $0x0;
	s24 =	simm.s32 $0x200  }
.LBB2_2:
0x2a: {  	p1 =	sne.s32 s24, $0xFE00;
	[tilespmem:s23+$0x170] =	vst v0  }
0x2b: {  	[tilespmem:s23+$0x100] =	vst v0  }
0x2c: {  	[tilespmem:s23+$0x110] =	vst v0  }
.Ltmp2:
0x2d: {  	[tilespmem:s23+$0x120] =	vst v0;
	(pc) =	sbr.rel @p1 .LBB2_2-.Ltmp2, $4  }
0x2e: {  	[tilespmem:s23+$0x130] =	vst v0  }
0x2f: {  	[tilespmem:s23+$0x140] =	vst v0  }
0x30: {  	[tilespmem:s23+$0x150] =	vst v0  }
0x31: {  	[tilespmem:s23+$0x160] =	vst v0;
	s23 =	sshra.s32 s24, $0x2;
	s24 =	sadd.s32 $0x200, s24  }
0x32: {  	[tilespmem:s23+$0x170] =	vst v0  }
0x33: {  	[tilespmem:s23+$0x100] =	vst v0  }
0x34: {  	[tilespmem:s23+$0x110] =	vst v0  }
0x35: {  	[tilespmem:s23+$0x120] =	vst v0  }
0x36: {  	[tilespmem:s23+$0x130] =	vst v0  }
0x37: {  	[tilespmem:s23+$0x140] =	vst v0  }
0x38: {  	[tilespmem:s23+$0x150] =	vst v0  }
0x39: {  	[tilespmem:s23+$0x160] =	vst v0  }
0x3a: {  	[spmem:s7] =	stream.linear.scatter [tilespmem:s18], [sflag:$0x2], $0x4000, $0x38;
	[tilespmem:$0x18100] =	vst v63  }
0x3b: {  	_ =	swait.ge [sflag:s19], $0x4000  }
0x3c: {  	[sflag:s19] =	ssyncset.done $0x0  }
0x3d: {  	[sflag:s19] =	ssyncadd.s32 $0xFFFFC000  }
0x3e: {  	[spmem:s8] =	stream.linear.scatter [tilespmem:s18], [sflag:$0x2], $0x4000, $0x38;
	[tilespmem:$0x18100] =	vst v63  }
0x3f: {  	_ =	swait.ge [sflag:s19], $0x4000  }
0x40: {  	[sflag:s19] =	ssyncset.done $0x0  }
0x41: {  	[sflag:s19] =	ssyncadd.s32 $0xFFFFC000  }
0x42: {  	[spmem:s9] =	stream.linear.scatter [tilespmem:s18], [sflag:$0x2], $0x4000, $0x38;
	[tilespmem:$0x18100] =	vst v63  }
0x43: {  	_ =	swait.ge [sflag:s19], $0x4000  }
0x44: {  	[sflag:s19] =	ssyncset.done $0x0  }
0x45: {  	[sflag:s19] =	ssyncadd.s32 $0xFFFFC000  }
0x46: {  	[spmem:s10] =	stream.linear.scatter [tilespmem:s18], [sflag:$0x2], $0x4000, $0x38;
	[tilespmem:$0x18100] =	vst v63  }
0x47: {  	_ =	swait.ge [sflag:s19], $0x4000  }
0x48: {  	[sflag:s19] =	ssyncset.done $0x0  }
0x49: {  	[sflag:s19] =	ssyncadd.s32 $0xFFFFC000  }
0x4a: {  	[spmem:s12] =	stream.linear.scatter [tilespmem:s18], [sflag:$0x2], $0x4000, $0x38;
	[tilespmem:$0x18100] =	vst v63  }
.Ltmp3:
0x4b: {  	_ =	swait.ge [sflag:s19], $0x4000;
	(pc) =	sbr.rel @p0 .LBB2_7-.Ltmp3, $3  }
0x4c: {  	[sflag:s19] =	ssyncset.done $0x0  }
0x4d: {  	[sflag:s19] =	ssyncadd.s32 $0xFFFFC000  }
0x4e: {  	[bflag:$0x0] =	sbarrier.arrive $0xFFFF;
	_ =	sdelay $0x1  }
0x4f: {  	s23 =	sadd.s32 $0x0, s17  }
0x50: {  	[tilespmem:s4], [sflag:$0x2] =	stream.linear.gather [hbm4b:s23+s4], $0x80, $0x38;
	[tilespmem:$0x18100] =	vst v63  }
0x51: {  	_ =	swait.ge [sflag:s19], $0x80  }
0x52: {  	[sflag:s19] =	ssyncset.done $0x0  }
0x53: {  	s31 =	sadd.s32 $0x0, s16;
	[sflag:s19] =	ssyncadd.s32 $0xFFFFFF80  }
0x54: {  	[tilespmem:s20], [sflag:$0x2] =	stream.linear.gather [hbm4b:s31+s4], $0x80, $0x38;
	[tilespmem:$0x18100] =	vst v63  }
0x55: {  	_ =	swait.ge [sflag:s19], $0x80  }
0x56: {  	[sflag:s19] =	ssyncset.done $0x0  }
0x57: {  	[sflag:s19] =	ssyncadd.s32 $0xFFFFFF80  }
0x58: {  	[tilespmem:s18], [sflag:$0x1] =	stream.indirect.gather [hbm4b:s5+s20], $0x80, s4, s20, $0xb8;
	[tilespmem:$0x18100] =	vst v63  }
0x59: {  	_ =	swait.ge [sflag:s21], $0x4000  }
0x5a: {  	[sflag:s21] =	ssyncset.done $0x0  }
0x5b: {  	[sflag:s21] =	ssyncadd.s32 $0xFFFFC000  }
0x5c: {  	[spmem:s3] =	stream.indirect.scatter.add.f32 [tilespmem:s18], [sflag:$0x2], $0x80, s20, s20, $0xb8;
	[tilespmem:$0x18100] =	vst v63  }
0x5d: {  	_ =	swait.ge [sflag:s19], $0x4000  }
0x5e: {  	s24 =	simm.s32 $0x20;
	s23 =	simm.s32 $0x10;
	[sflag:s19] =	ssyncset.done $0x0  }
.LBB2_5:
0x5f: {  	s25 =	sadd.s32 s23, s17  }
0x60: {  	[sflag:s19] =	ssyncadd.s32 $0xFFFFC000;
	s26 =	smov.u32 s24;
	s28 =	sadd.s32 $0x10, s24  }
0x61: {  	[tilespmem:s4], [sflag:$0x2] =	stream.linear.gather [hbm4b:s25+s4], $0x80, $0x38;
	[tilespmem:$0x18100] =	vst v63  }
0x62: {  	p1 =	seq.s32 s24, $0x660;
	_ =	swait.ge [sflag:s19], $0x80  }
0x63: {  	[sflag:s19] =	ssyncset.done $0x0  }
0x64: {  	s24 =	sadd.s32 s23, s16;
	s23 =	smov.u32 s26;
	[sflag:s19] =	ssyncadd.s32 $0xFFFFFF80  }
0x65: {  	[tilespmem:s20], [sflag:$0x2] =	stream.linear.gather [hbm4b:s24+s4], $0x80, $0x38;
	[tilespmem:$0x18100] =	vst v63  }
0x66: {  	_ =	swait.ge [sflag:s19], $0x80  }
0x67: {  	[sflag:s19] =	ssyncset.done $0x0  }
0x68: {  	[sflag:s19] =	ssyncadd.s32 $0xFFFFFF80  }
0x69: {  	[tilespmem:s18], [sflag:$0x1] =	stream.indirect.gather [hbm4b:s5+s20], $0x80, s4, s20, $0xb8;
	[tilespmem:$0x18100] =	vst v63  }
0x6a: {  	_ =	swait.ge [sflag:s21], $0x4000  }
.Ltmp4:
0x6b: {  	[sflag:s21] =	ssyncset.done $0x0;
	(pc) =	sbr.rel @!p1 .LBB2_5-.Ltmp4, $4  }
0x6c: {  	[sflag:s21] =	ssyncadd.s32 $0xFFFFC000  }
0x6d: {  	[spmem:s3] =	stream.indirect.scatter.add.f32 [tilespmem:s18], [sflag:$0x2], $0x80, s20, s20, $0xb8;
	[tilespmem:$0x18100] =	vst v63  }
0x6e: {  	_ =	swait.ge [sflag:s19], $0x4000  }
0x6f: {  	s24 =	smov.u32 s28;
	[sflag:s19] =	ssyncset.done $0x0  }
0x70: {  	s24 =	sadd.s32 s23, s17;
	[sflag:s19] =	ssyncadd.s32 $0xFFFFC000  }
0x71: {  	[tilespmem:s4], [sflag:$0x2] =	stream.linear.gather [hbm4b:s24+s4], $0x80, $0x38;
	[tilespmem:$0x18100] =	vst v63  }
0x72: {  	_ =	swait.ge [sflag:s19], $0x80  }
0x73: {  	[sflag:s19] =	ssyncset.done $0x0  }
0x74: {  	s31 =	sadd.s32 s23, s16;
	[sflag:s19] =	ssyncadd.s32 $0xFFFFFF80  }
0x75: {  	[tilespmem:s20], [sflag:$0x2] =	stream.linear.gather [hbm4b:s31+s4], $0x80, $0x38;
	[tilespmem:$0x18100] =	vst v63  }
0x76: {  	_ =	swait.ge [sflag:s19], $0x80  }
0x77: {  	[sflag:s19] =	ssyncset.done $0x0  }
0x78: {  	[sflag:s19] =	ssyncadd.s32 $0xFFFFFF80  }
0x79: {  	[tilespmem:s18], [sflag:$0x1] =	stream.indirect.gather [hbm4b:s5+s20], $0x80, s4, s20, $0xb8;
	[tilespmem:$0x18100] =	vst v63  }
0x7a: {  	_ =	swait.ge [sflag:s21], $0x4000  }
0x7b: {  	[sflag:s21] =	ssyncset.done $0x0  }
.Ltmp5:
0x7c: {  	[sflag:s21] =	ssyncadd.s32 $0xFFFFC000;
	(pc) =	sbr.rel .LBB2_10-.Ltmp5, $4  }
0x7d: {  	[spmem:s3] =	stream.indirect.scatter.add.f32 [tilespmem:s18], [sflag:$0x2], $0x80, s20, s20, $0xb8;
	[tilespmem:$0x18100] =	vst v63  }
0x7e: {  	_ =	swait.ge [sflag:s19], $0x4000  }
0x7f: {  	[sflag:s19] =	ssyncset.done $0x0  }
0x80: {  	s23 =	smov.u32 s1;
	[sflag:s19] =	ssyncadd.s32 $0xFFFFC000  }
.LBB2_7:
0x81: {  	s23 =	sadd.s32 $0x0, s15  }
0x82: {  	[tilespmem:s4], [sflag:$0x2] =	stream.linear.gather [hbm4b:s23+s4], $0x80, $0x38;
	[tilespmem:$0x18100] =	vst v63  }
0x83: {  	_ =	swait.ge [sflag:s19], $0x80  }
0x84: {  	[sflag:s19] =	ssyncset.done $0x0  }
0x85: {  	s31 =	sadd.s32 $0x0, s14;
	[sflag:s19] =	ssyncadd.s32 $0xFFFFFF80  }
0x86: {  	[tilespmem:s20], [sflag:$0x2] =	stream.linear.gather [hbm4b:s31+s4], $0x80, $0x38;
	[tilespmem:$0x18100] =	vst v63  }
0x87: {  	_ =	swait.ge [sflag:s19], $0x80  }
0x88: {  	[sflag:s19] =	ssyncset.done $0x0  }
0x89: {  	[sflag:s19] =	ssyncadd.s32 $0xFFFFFF80  }
0x8a: {  	[tilespmem:s18], [sflag:$0x1] =	stream.indirect.gather [hbm4b:s5+s20], $0x80, s4, s20, $0xb8;
	[tilespmem:$0x18100] =	vst v63  }
0x8b: {  	_ =	swait.ge [sflag:s21], $0x4000  }
0x8c: {  	[sflag:s21] =	ssyncset.done $0x0  }
0x8d: {  	[sflag:s21] =	ssyncadd.s32 $0xFFFFC000  }
0x8e: {  	[spmem:s3] =	stream.indirect.scatter.add.f32 [tilespmem:s18], [sflag:$0x2], $0x80, s20, s20, $0xb8;
	[tilespmem:$0x18100] =	vst v63  }
0x8f: {  	_ =	swait.ge [sflag:s19], $0x4000  }
0x90: {  	s24 =	simm.s32 $0x20;
	s23 =	simm.s32 $0x10;
	[sflag:s19] =	ssyncset.done $0x0  }
.LBB2_8:
0x91: {  	s25 =	sadd.s32 s23, s15  }
0x92: {  	[sflag:s19] =	ssyncadd.s32 $0xFFFFC000;
	s26 =	smov.u32 s24;
	s28 =	sadd.s32 $0x10, s24  }
0x93: {  	[tilespmem:s4], [sflag:$0x2] =	stream.linear.gather [hbm4b:s25+s4], $0x80, $0x38;
	[tilespmem:$0x18100] =	vst v63  }
0x94: {  	p1 =	sne.s32 s24, $0x360;
	_ =	swait.ge [sflag:s19], $0x80  }
0x95: {  	[sflag:s19] =	ssyncset.done $0x0  }
0x96: {  	s24 =	sadd.s32 s23, s14;
	s23 =	smov.u32 s26;
	[sflag:s19] =	ssyncadd.s32 $0xFFFFFF80  }
0x97: {  	[tilespmem:s20], [sflag:$0x2] =	stream.linear.gather [hbm4b:s24+s4], $0x80, $0x38;
	[tilespmem:$0x18100] =	vst v63  }
0x98: {  	_ =	swait.ge [sflag:s19], $0x80  }
0x99: {  	[sflag:s19] =	ssyncset.done $0x0  }
0x9a: {  	[sflag:s19] =	ssyncadd.s32 $0xFFFFFF80  }
0x9b: {  	[tilespmem:s18], [sflag:$0x1] =	stream.indirect.gather [hbm4b:s5+s20], $0x80, s4, s20, $0xb8;
	[tilespmem:$0x18100] =	vst v63  }
0x9c: {  	_ =	swait.ge [sflag:s21], $0x4000  }
.Ltmp6:
0x9d: {  	[sflag:s21] =	ssyncset.done $0x0;
	(pc) =	sbr.rel @p1 .LBB2_8-.Ltmp6, $4  }
0x9e: {  	[sflag:s21] =	ssyncadd.s32 $0xFFFFC000  }
0x9f: {  	[spmem:s3] =	stream.indirect.scatter.add.f32 [tilespmem:s18], [sflag:$0x2], $0x80, s20, s20, $0xb8;
	[tilespmem:$0x18100] =	vst v63  }
0xa0: {  	_ =	swait.ge [sflag:s19], $0x4000  }
0xa1: {  	s24 =	smov.u32 s28;
	[sflag:s19] =	ssyncset.done $0x0  }
.Ltmp7:
0xa2: {  	_ = 	snop;
	(pc) =	sbr.rel .LBB2_9-.Ltmp7, $1  }
0xa3: {  	_ =	sdelay $0x3  }
.LBB2_11:
0xa4: {  	_ =	sfence.sel $0x180000  }
0xa5: {  	[bflag:$0x0] =	sbarrier.arrive $0xFFFF  }
0xa6: {  	p0 =	sne.s32 s2, $0x0;
	_ =	strace $0x9000004A  }
0xa7: {  	s0 =	sadd.s32 @!p0 $0x100000, s0;
	[bflag:$0x2] =	sbarrier.arrive $0xFFFF  }
0xa8: {  	[sflag:s0] =	ssyncadd.tile.s32 @!p0 $0x1;
	_ =	shalt  }
.Lfunc_end2:
_tile_overlayer_lowered:
.L_overlay_start_2:
0xa9: {  	(tag) =	ssettag $0x2  }
0xaa: {  	s0 =	rddreg [dreg:$0x0];
	s2 =	stileid.u32  }
0xab: {  	s1 =	rddreg [dreg:$0x1];
	p0 =	sne.s32 s2, $0x0  }
0xac: {  	s3 =	rddreg [dreg:$0x2];
	[bflag:$0x3] =	sbarrier.arrive $0xFFFF;
	s2 =	simm.s32 @!p0 $0x1C02  }
0xad: {  	[timem:s3], [sflag:s2] =	dma.local @!p0 [hbm:s0], s1  }
0xae: {  	s0 =	simm.s32 @!p0 $0x2  }
0xaf: {  	_ =	swait.ge @!p0 [sflag:s0], s1  }
0xb0: {  	s1 =	ssub.s32 @!p0 $0x0, s1;
	[sflag:s0] =	ssyncset.done @!p0 $0x0  }
0xb1: {  	[sflag:s0] =	ssyncadd.s32 @!p0 s1  }
0xb2: {  	[bflag:$0x3] =	sbarrier.arrive $0xFFFF  }
0xb3: {  	_ =	shalt  }

// kernel: kernel.14.cloned.1.call-start
scs
__scs_entry_jumppad:
0x0: {  	(pc) =	sbr.rel $0x88, $3  }
0x1: {  	(tag) =	ssettag $0x0;
	lr =	simm.s32 $0x1  }
0x2: {  	[smem:$0x3F9B] =	sst lr;
	_ =	strace $0xD0000000  }
0x3: {  	_ = 	snop  }
0x4: {  	_ = 	snop  }
0x5: {  	_ = 	snop  }
0x6: {  	_ = 	snop  }
0x7: {  	_ = 	snop  }
__scs_overlays_trampoline_lowered:
0x8: {  	[smem:$0x3FAA] =	sst s0  }
0x9: {  	[smem:$0x3FAB] =	sst s1  }
0xa: {  	[smem:$0x3FAC] =	sst s2  }
0xb: {  	[smem:$0x3FAD] =	sst s3  }
0xc: {  	[smem:$0x3FAE] =	sst s4  }
0xd: {  	[smem:$0x3FAF] =	sst s5  }
0xe: {  	[smem:$0x3FB0] =	sst s6  }
0xf: {  	[smem:$0x3FB1] =	sst s7  }
0x10: {  	[smem:$0x3FB2] =	sst s8  }
0x11: {  	[smem:$0x3FB3] =	sst s9;
	s0 =	simm.s32 @!p0 $0x0  }
0x12: {  	s1 =	sld [smem:$0x3F99];
	s0 =	simm.s32 @p0 $0x1  }
0x13: {  	[smem:$0x3FB4] =	sst s0;
	s0 =	simm.s32 @!p1 $0x0  }
0x14: {  	s2 =	sld [smem:$0x3F98];
	s0 =	simm.s32 @p1 $0x1  }
0x15: {  	[smem:$0x3FB5] =	sst s0;
	s0 =	simm.s32 @!p2 $0x0  }
0x16: {  	s3 =	sld [smem:$0x3FDB];
	s0 =	simm.s32 @p2 $0x1  }
0x17: {  	s4 =	simm.s32 $0x1BF5;
	[smem:$0x3FB7] =	sst s0  }
0x18: {  	s0 =	sld [smem:$0x3F9A];
	_ =	swait.ge [sflag:s4], $0x0  }
0x19: {  	s7 =	sld [smem:$0x3F9B]  }
0x1a: {  	s8 =	sadd.s32 $0xFFFFE003, lr  }
0x1b: {  	s9 =	sadd.s32 $0xFFFFFEF7, lr;
	s5 =	simm.s32 $0xFFFFFFFF;
	p2 =	slt.u32 s8, $0xFFFFF086  }
0x1c: {  	p1 =	slt.u32 s9, $0xF7A;
	s5 =	simm.s32 @!p2 $0x0  }
0x1d: {  	s5 =	simm.s32 @p1 $0x1;
	p0 =	seq.s32 s7, s2  }
0x1e: {  	s7 =	smul.u32 @!p0 $0xF7A, s2;
	p2 =	seq.s32 @!p0 s5, $0x0  }
0x1f: {  	s9 =	smul.u32 $0xF7A, s1;
	s8 =	simm.s32 @!p0 $0x1BF5;
	p2 =	por !p2, p0  }
0x20: {  	[sflag:s8] =	ssyncset.s32 @!p0 $0xFFFFF086;
	s6 =	sadd.s32 @!p0 s3, s7;
	s7 =	simm.s32 @!p0 $0x108  }
0x21: {  	s3 =	sadd.s32 s3, s9;
	s6 =	sadd.s32 @!p0 $0x88, s6;
	s7 =	simm.s32 @p2 $0x1082  }
0x22: {  	[simem:s7], [sflag:s8] =	dma.local @!p0 [hbm:s6], $0xF7A  }
0x23: {  	s9 =	sor.u32 $0xD0000000, s2;
	s6 =	simm.s32 $0x108;
	_ =	swait.ge @!p0 [sflag:s8], $0x0  }
0x24: {  	s3 =	sadd.s32 $0x88, s3;
	s6 =	simm.s32 @!p1 $0x1082;
	[sflag:s4] =	ssyncset.s32 $0xFFFFF086  }
0x25: {  	[simem:s6], [sflag:s4] =	dma.local [hbm:s3], $0xF7A  }
0x26: {  	[smem:$0x3F9B] =	sst s1;
	(tag) =	ssettag s2;
	_ =	strace s9  }
0x27: {  	s1 =	sld [smem:$0x3FAB]  }
0x28: {  	s2 =	sld [smem:$0x3FAC]  }
0x29: {  	s4 =	sld [smem:$0x3FAE]  }
0x2a: {  	p0 =	seq.s32 s5, $0x0;
	s5 =	sld [smem:$0x3FAF]  }
0x2b: {  	s6 =	sld [smem:$0x3FB0]  }
0x2c: {  	s7 =	sld [smem:$0x3FB1]  }
0x2d: {  	s3 =	simm.s32 $0x108;
	s8 =	sld [smem:$0x3FB2]  }
0x2e: {  	s3 =	simm.s32 @!p0 $0x1082;
	s9 =	sld [smem:$0x3FB3]  }
0x2f: {  	lr =	sadd.s32 s0, s3;
	s0 =	sld [smem:$0x3FAA]  }
0x30: {  	s3 =	sld [smem:$0x3FAD]  }
0x31: {  	[smem:$0x3FB6] =	sst s10  }
0x32: {  	s10 =	sld [smem:$0x3FB4];
	_ =	sdelay $0x3  }
0x33: {  	p0 =	seq.s32 s10, $0x1;
	s10 =	sld [smem:$0x3FB6];
	_ =	sdelay $0x3  }
0x34: {  	[smem:$0x3FB6] =	sst s10  }
0x35: {  	s10 =	sld [smem:$0x3FB5];
	_ =	sdelay $0x3  }
0x36: {  	p1 =	seq.s32 s10, $0x1;
	s10 =	sld [smem:$0x3FB6];
	_ =	sdelay $0x3  }
0x37: {  	[smem:$0x3FB6] =	sst s10  }
0x38: {  	s10 =	sld [smem:$0x3FB7]  }
0x39: {  	_ = 	snop;
	(pc) =	sbr.ind lr, $3  }
0x3a: {  	_ = 	snop  }
0x3b: {  	_ = 	snop  }
0x3c: {  	p2 =	seq.s32 s10, $0x1;
	s10 =	sld [smem:$0x3FB6]  }
0x3d: {  	_ =	shalt  }
0x3e: {  	_ =	shalt  }
0x3f: {  	_ =	shalt  }
0x40: {  	_ =	shalt  }
0x41: {  	_ =	shalt  }
0x42: {  	_ =	shalt  }
0x43: {  	_ =	shalt  }
0x44: {  	_ =	shalt  }
0x45: {  	_ =	shalt  }
0x46: {  	_ =	shalt  }
0x47: {  	_ =	shalt  }
0x48: {  	_ =	shalt  }
0x49: {  	_ =	shalt  }
0x4a: {  	_ =	shalt  }
0x4b: {  	_ =	shalt  }
0x4c: {  	_ =	shalt  }
0x4d: {  	_ =	shalt  }
0x4e: {  	_ =	shalt  }
0x4f: {  	_ =	shalt  }
0x50: {  	_ =	shalt  }
0x51: {  	_ =	shalt  }
0x52: {  	_ =	shalt  }
0x53: {  	_ =	shalt  }
0x54: {  	_ =	shalt  }
0x55: {  	_ =	shalt  }
0x56: {  	_ =	shalt  }
0x57: {  	_ =	shalt  }
0x58: {  	_ =	shalt  }
0x59: {  	_ =	shalt  }
0x5a: {  	_ =	shalt  }
0x5b: {  	_ =	shalt  }
0x5c: {  	_ =	shalt  }
0x5d: {  	_ =	shalt  }
0x5e: {  	_ =	shalt  }
0x5f: {  	_ =	shalt  }
0x60: {  	_ =	shalt  }
0x61: {  	_ =	shalt  }
0x62: {  	_ =	shalt  }
0x63: {  	_ =	shalt  }
0x64: {  	_ =	shalt  }
0x65: {  	_ =	shalt  }
0x66: {  	_ =	shalt  }
0x67: {  	_ =	shalt  }
0x68: {  	_ =	shalt  }
0x69: {  	_ =	shalt  }
0x6a: {  	_ =	shalt  }
0x6b: {  	_ =	shalt  }
0x6c: {  	_ =	shalt  }
0x6d: {  	_ =	shalt  }
0x6e: {  	_ =	shalt  }
0x6f: {  	_ =	shalt  }
0x70: {  	_ =	shalt  }
0x71: {  	_ =	shalt  }
0x72: {  	_ =	shalt  }
0x73: {  	_ =	shalt  }
0x74: {  	_ =	shalt  }
0x75: {  	_ =	shalt  }
0x76: {  	_ =	shalt  }
0x77: {  	_ =	shalt  }
0x78: {  	_ =	shalt  }
0x79: {  	_ =	shalt  }
0x7a: {  	_ =	shalt  }
0x7b: {  	_ =	shalt  }
0x7c: {  	_ =	shalt  }
0x7d: {  	_ =	shalt  }
0x7e: {  	_ =	shalt  }
0x7f: {  	_ =	shalt  }
0x80: {  	_ =	shalt  }
0x81: {  	_ =	shalt  }
0x82: {  	_ =	shalt  }
0x83: {  	_ =	shalt  }
0x84: {  	_ =	shalt  }
0x85: {  	_ =	shalt  }
0x86: {  	_ =	shalt  }
0x87: {  	_ =	shalt  }
.Lfunc_end0:
.L_simem_size_0:
called_computation.2_lowered:
.L_overlay_start_0:
0x88: {  	s2 =	sld [smem:$0x3FD9]  }
0x89: {  	s3 =	sld [smem:$0x3FFE];
	_ =	sdelay $0x1  }
0x8a: {  	s1 =	srdreg.scid  }
0x8b: {  	s0 =	sand.u32 $0x1, s1  }
0x8c: {  	s17 =	sshll.u32 s0, $0xA;
	s2 =	sadd.s32 s3, s2  }
0x8d: {  	s2 =	sadd.s32 s2, s17  }
0x8e: {  	[smem:$0x3FC2] =	sst s2  }
0x8f: {  	_ = 	snop  }
0x90: {  	s2 =	sld [smem:$0x3FD0];
	(tm) =	ssettm $0x1  }
0x91: {  	s18 =	sld [smem:$0x3FFB];
	_ =	sdelay $0x3  }
0x92: {  	_ =	strace s18  }
0x93: {  	s3 =	sld [smem:$0x3FFC];
	_ =	sdelay $0x3  }
0x94: {  	_ =	strace s3  }
0x95: {  	s3 =	sld [smem:$0x3FFD];
	_ =	sdelay $0x3  }
0x96: {  	_ =	strace s3  }
0x97: {  	_ =	strace $0x8FFFFFFF  }
0x98: {  	s19 =	sld [smem:$0x3FDB];
	_ =	sdelay $0x1  }
0x99: {  	s4 =	simm.s32 $_scs_section_size  }
0x9a: {  	s5 =	simm.s32 $_size__tile_overlayer_lowered;
	s6 =	simm.s32 $_tile_overlayer_lowered  }
0x9b: {  	s22 =	simm.s32 $0x1BFF;
	s21 =	sshll.u32 s6, $0x1;
	s3 =	sadd.s32 s4, s19  }
0x9c: {  	s7 =	simm.s32 $0x0;
	s20 =	sshll.u32 s5, $0x1;
	s5 =	sadd.s32 s21, s3  }
0x9d: {  	[timem:s7], [sflag:s22] =	dma.local [hbm:s5], s20  }
0x9e: {  	_ =	swait.ge [sflag:s22], s20  }
0x9f: {  	s4 =	ssub.s32 $0x0, s20;
	[sflag:s22] =	ssyncset.done $0x0  }
0xa0: {  	[sflag:s22] =	ssyncadd.s32 s4;
	_ =	sdelay $0x1  }
0xa1: {  	s23 =	simm.s32 $0x1B8B  }
0xa2: {  	_ =	swait.ge [sflag:s23], $0x1  }
0xa3: {  	[sflag:s23] =	ssyncset.done $0x0  }
0xa4: {  	s25 =	simm.s32 $0x1B8E;
	s24 =	sld [smem:$0x3FFE];
	[sflag:s23] =	ssyncadd.s32 $0xFFFFFFFF  }
0xa5: {  	s26 =	simm.s32 $execute0_lowered;
	[smem:$0x3FD2] =	sst s25  }
0xa6: {  	s5 =	sshll.u32 s26, $0x1;
	_ =	strace $0x8000004C;
	[dreg:$0x1] =	wrdreg $0xFFFFFFFF  }
0xa7: {  	s28 =	simm.s32 $_size_execute0_lowered;
	s3 =	sadd.s32 s3, s5;
	[dreg:$0x0] =	wrdreg $0x0  }
0xa8: {  	s5 =	sshll.u32 s28, $0x1;
	[dreg:$0x2] =	wrdreg s3  }
0xa9: {  	[dreg:$0x3] =	wrdreg s5  }
0xaa: {  	[dreg:$0x4] =	wrdreg $0xC0  }
0xab: {  	_ =	task [dreg:s7], $0x5FFFF  }
0xac: {  	[dreg:$0x1] =	wrdreg $0xFFFFFFFF  }
0xad: {  	[dreg:$0x0] =	wrdreg $0x60  }
0xae: {  	[dreg:$0x2] =	wrdreg s24  }
0xaf: {  	[dreg:$0x3] =	wrdreg s2  }
0xb0: {  	[dreg:$0x4] =	wrdreg $0x41000  }
0xb1: {  	[dreg:$0x5] =	wrdreg $0x9  }
0xb2: {  	_ =	task.clear_ibuf [dreg:s7], $0x6FFFF;
	_ =	strace $0x9000004C  }
0xb3: {  	s29 =	simm.s32 $0x9;
	_ =	strace $0x8000004E  }
0xb4: {  	_ =	swait.ge [sflag:s29], $0x1  }
0xb5: {  	[sflag:s29] =	ssyncadd.s32 $0xFFFFFFFF  }
0xb6: {  	_ =	strace $0x9000004E  }
0xb7: {  	_ =	sfence  }
0xb8: {  	s30 =	sld [smem:$0x0];
	_ =	sdelay $0x2  }
0xb9: {  	s31 =	sshll.u32 s1, $0xD;
	s1 =	sshrl.u32 s1, $0x2  }
0xba: {  	s3 =	sand.u32 $0x4000, s31;
	s1 =	sadd.s32 s1, s30  }
0xbb: {  	s0 =	sor.u32 s3, s0;
	s1 =	sshll.u32 s1, $0x11  }
0xbc: {  	s0 =	sor.u32 s1, s0  }
0xbd: {  	s0 =	sadd.s32 $0x8F2B, s0  }
0xbe: {  	[sflag:s0] =	ssyncadd.remote.s32 $0x1  }
0xbf: {  	_ =	sfence.sel $0xFFFF  }
0xc0: {  	[dreg:$0x0] =	wrdreg $0xFFFFFFFF;
	(pc) =	sbr.abs _section_cstart, $3  }
0xc1: {  	[dreg:$0x1] =	wrdreg $0xFFFFFFFF  }
0xc2: {  	_ =	task.clear_ibuf [dreg:s7], $0x2FFFF;
	_ =	strace $0x9FFFFFFF  }
0xc3: {  	(tm) =	ssettm $0x7FFFFFFF  }
tec
execute0_lowered:
.L_overlay_start_1:
0x0: {  	(tag) =	ssettag $0x1  }
0x1: {  	s6 =	rddreg [dreg:$0x0]  }
0x2: {  	s1 =	rddreg [dreg:$0x1]  }
0x3: {  	s3 =	rddreg [dreg:$0x2]  }
0x4: {  	s0 =	rddreg [dreg:$0x3];
	s4 =	simm.s32 $0x0  }
0x5: {  	s2 =	stileid.u32;
	s7 =	srdreg.scid;
	s20 =	simm.s32 $0x80  }
0x6: {  	s21 =	simm.s32 $0x1;
	s22 =	simm.s32 $0x0;
	s8 =	smul.u32 $0x50000, s2  }
0x7: {  	[smem:$0x7FF] =	sst s4;
	s5 =	sadd.s32 $0x67000, s6;
	s15 =	smul.u32 $0x370, s2  }
0x8: {  	s17 =	sadd.s32 $0x5D200, s6;
	s18 =	sand.u32 $0x1, s7;
	s11 =	smul.u32 $0x2800, s2  }
0x9: {  	s16 =	sadd.s32 $0x3400, s6;
	s6 =	sadd.s32 $0x8E200, s6;
	s19 =	smul.u32 $0x670, s2  }
0xa: {  	_ =	strace $0x8000004D;
	s9 =	ssub.s32 $0x2, s18;
	p0 =	sne.s32 s18, $0x0  }
0xb: {  	s18 =	simm.s32 $0x100;
	s30 =	sshrl.u32 s8, $0x2;
	s31 =	sshrl.u32 s9, $0x1  }
.Ltmp0:
0xc: {  	s14 =	sadd.s32 s15, s16;
	s15 =	sadd.s32 s15, s17;
	(pc) =	sbr.rel .LBB2_1-.Ltmp0, $4  }
0xd: {  	s16 =	sadd.s32 s19, s16;
	s17 =	sadd.s32 s19, s17;
	s19 =	simm.s32 $0x2  }
0xe: {  	s7 =	sadd.s32 s30, s3;
	s13 =	ssub.s32 s9, s31;
	s14 =	sadd.s32 $0x6700, s14  }
0xf: {  	s15 =	sadd.s32 $0x6700, s15;
	s8 =	sadd.s32 $0x4000, s7;
	s9 =	sadd.s32 $0x8000, s7  }
0x10: {  	v0 =	vimm.f32 $0.0e+00;
	s10 =	sadd.s32 $0xC000, s7;
	s12 =	sadd.s32 $0x10000, s7;
	s13 =	smax.u32 s13, $0x1  }
.LBB2_9:
0x11: {  	s24 =	sadd.s32 s23, s15;
	[sflag:s19] =	ssyncadd.s32 $0xFFFFC000  }
0x12: {  	[tilespmem:s4], [sflag:$0x2] =	stream.linear.gather [hbm4b:s24+s4], $0x80, $0x38;
	[tilespmem:$0x18100] =	vst v63  }
0x13: {  	_ =	swait.ge [sflag:s19], $0x80  }
0x14: {  	[sflag:s19] =	ssyncset.done $0x0  }
0x15: {  	s31 =	sadd.s32 s23, s14;
	[sflag:s19] =	ssyncadd.s32 $0xFFFFFF80  }
0x16: {  	[tilespmem:s20], [sflag:$0x2] =	stream.linear.gather [hbm4b:s31+s4], $0x80, $0x38;
	[tilespmem:$0x18100] =	vst v63  }
0x17: {  	_ =	swait.ge [sflag:s19], $0x80  }
0x18: {  	[sflag:s19] =	ssyncset.done $0x0  }
0x19: {  	[sflag:s19] =	ssyncadd.s32 $0xFFFFFF80  }
0x1a: {  	[tilespmem:s18], [sflag:$0x1] =	stream.indirect.gather [hbm4b:s5+s20], $0x80, s4, s20, $0xb8;
	[tilespmem:$0x18100] =	vst v63  }
0x1b: {  	_ =	swait.ge [sflag:s21], $0x4000  }
0x1c: {  	[sflag:s21] =	ssyncset.done $0x0  }
0x1d: {  	[sflag:s21] =	ssyncadd.s32 $0xFFFFC000  }
0x1e: {  	[spmem:s3] =	stream.indirect.scatter.add.f32 [tilespmem:s18], [sflag:$0x2], $0x80, s20, s20, $0xb8;
	[tilespmem:$0x18100] =	vst v63  }
0x1f: {  	_ =	swait.ge [sflag:s19], $0x4000  }
0x20: {  	[sflag:s19] =	ssyncset.done $0x0  }
0x21: {  	s23 =	smov.u32 s6;
	[sflag:s19] =	ssyncadd.s32 $0xFFFFC000  }
.LBB2_10:
0x22: {  	s23 =	sadd.s32 s23, s11;
	s22 =	sadd.s32 $0x1, s22  }
0x23: {  	s24 =	sshll.u32 s2, $0x6;
	[bflag:$0x0] =	sbarrier.arrive $0xFFFF;
	p1 =	sne.s32 s22, s13  }
.Ltmp1:
0x24: {  	s25 =	sshrl.u32 s7, $0x3;
	s24 =	sor.u32 $0x1C02, s24;
	(pc) =	sbr.rel @!p1 .LBB2_11-.Ltmp1, $4  }
0x25: {  	[hbm:s23], [sflag:s24] =	dma.local [spmem:s25], $0x2800  }
0x26: {  	_ =	swait.ge [sflag:s19], $0x2800  }
0x27: {  	[sflag:s19] =	ssyncset.done $0x0  }
0x28: {  	[sflag:s19] =	ssyncadd.s32 $0xFFFFD800  }
.LBB2_1:
0x29: {  	s23 =	simm.s32 $0x0;
	s24 =	simm.s32 $0x200  }
.LBB2_2:
0x2a: {  	p1 =	sne.s32 s24, $0xFE00;
	[tilespmem:s23+$0x170] =	vst v0  }
0x2b: {  	[tilespmem:s23+$0x100] =	vst v0  }
0x2c: {  	[tilespmem:s23+$0x110] =	vst v0  }
.Ltmp2:
0x2d: {  	[tilespmem:s23+$0x120] =	vst v0;
	(pc) =	sbr.rel @p1 .LBB2_2-.Ltmp2, $4  }
0x2e: {  	[tilespmem:s23+$0x130] =	vst v0  }
0x2f: {  	[tilespmem:s23+$0x140] =	vst v0  }
0x30: {  	[tilespmem:s23+$0x150] =	vst v0  }
0x31: {  	[tilespmem:s23+$0x160] =	vst v0;
	s23 =	sshra.s32 s24, $0x2;
	s24 =	sadd.s32 $0x200, s24  }
0x32: {  	[tilespmem:s23+$0x170] =	vst v0  }
0x33: {  	[tilespmem:s23+$0x100] =	vst v0  }
0x34: {  	[tilespmem:s23+$0x110] =	vst v0  }
0x35: {  	[tilespmem:s23+$0x120] =	vst v0  }
0x36: {  	[tilespmem:s23+$0x130] =	vst v0  }
0x37: {  	[tilespmem:s23+$0x140] =	vst v0  }
0x38: {  	[tilespmem:s23+$0x150] =	vst v0  }
0x39: {  	[tilespmem:s23+$0x160] =	vst v0  }
0x3a: {  	[spmem:s7] =	stream.linear.scatter [tilespmem:s18], [sflag:$0x2], $0x4000, $0x38;
	[tilespmem:$0x18100] =	vst v63  }
0x3b: {  	_ =	swait.ge [sflag:s19], $0x4000  }
0x3c: {  	[sflag:s19] =	ssyncset.done $0x0  }
0x3d: {  	[sflag:s19] =	ssyncadd.s32 $0xFFFFC000  }
0x3e: {  	[spmem:s8] =	stream.linear.scatter [tilespmem:s18], [sflag:$0x2], $0x4000, $0x38;
	[tilespmem:$0x18100] =	vst v63  }
0x3f: {  	_ =	swait.ge [sflag:s19], $0x4000  }
0x40: {  	[sflag:s19] =	ssyncset.done $0x0  }
0x41: {  	[sflag:s19] =	ssyncadd.s32 $0xFFFFC000  }
0x42: {  	[spmem:s9] =	stream.linear.scatter [tilespmem:s18], [sflag:$0x2], $0x4000, $0x38;
	[tilespmem:$0x18100] =	vst v63  }
0x43: {  	_ =	swait.ge [sflag:s19], $0x4000  }
0x44: {  	[sflag:s19] =	ssyncset.done $0x0  }
0x45: {  	[sflag:s19] =	ssyncadd.s32 $0xFFFFC000  }
0x46: {  	[spmem:s10] =	stream.linear.scatter [tilespmem:s18], [sflag:$0x2], $0x4000, $0x38;
	[tilespmem:$0x18100] =	vst v63  }
0x47: {  	_ =	swait.ge [sflag:s19], $0x4000  }
0x48: {  	[sflag:s19] =	ssyncset.done $0x0  }
0x49: {  	[sflag:s19] =	ssyncadd.s32 $0xFFFFC000  }
0x4a: {  	[spmem:s12] =	stream.linear.scatter [tilespmem:s18], [sflag:$0x2], $0x4000, $0x38;
	[tilespmem:$0x18100] =	vst v63  }
.Ltmp3:
0x4b: {  	_ =	swait.ge [sflag:s19], $0x4000;
	(pc) =	sbr.rel @p0 .LBB2_7-.Ltmp3, $3  }
0x4c: {  	[sflag:s19] =	ssyncset.done $0x0  }
0x4d: {  	[sflag:s19] =	ssyncadd.s32 $0xFFFFC000  }
0x4e: {  	[bflag:$0x0] =	sbarrier.arrive $0xFFFF;
	_ =	sdelay $0x1  }
0x4f: {  	s23 =	sadd.s32 $0x0, s17  }
0x50: {  	[tilespmem:s4], [sflag:$0x2] =	stream.linear.gather [hbm4b:s23+s4], $0x80, $0x38;
	[tilespmem:$0x18100] =	vst v63  }
0x51: {  	_ =	swait.ge [sflag:s19], $0x80  }
0x52: {  	[sflag:s19] =	ssyncset.done $0x0  }
0x53: {  	s31 =	sadd.s32 $0x0, s16;
	[sflag:s19] =	ssyncadd.s32 $0xFFFFFF80  }
0x54: {  	[tilespmem:s20], [sflag:$0x2] =	stream.linear.gather [hbm4b:s31+s4], $0x80, $0x38;
	[tilespmem:$0x18100] =	vst v63  }
0x55: {  	_ =	swait.ge [sflag:s19], $0x80  }
0x56: {  	[sflag:s19] =	ssyncset.done $0x0  }
0x57: {  	[sflag:s19] =	ssyncadd.s32 $0xFFFFFF80  }
0x58: {  	[tilespmem:s18], [sflag:$0x1] =	stream.indirect.gather [hbm4b:s5+s20], $0x80, s4, s20, $0xb8;
	[tilespmem:$0x18100] =	vst v63  }
0x59: {  	_ =	swait.ge [sflag:s21], $0x4000  }
0x5a: {  	[sflag:s21] =	ssyncset.done $0x0  }
0x5b: {  	[sflag:s21] =	ssyncadd.s32 $0xFFFFC000  }
0x5c: {  	[spmem:s3] =	stream.indirect.scatter.add.f32 [tilespmem:s18], [sflag:$0x2], $0x80, s20, s20, $0xb8;
	[tilespmem:$0x18100] =	vst v63  }
0x5d: {  	_ =	swait.ge [sflag:s19], $0x4000  }
0x5e: {  	s24 =	simm.s32 $0x20;
	s23 =	simm.s32 $0x10;
	[sflag:s19] =	ssyncset.done $0x0  }
.LBB2_5:
0x5f: {  	s25 =	sadd.s32 s23, s17  }
0x60: {  	[sflag:s19] =	ssyncadd.s32 $0xFFFFC000;
	s26 =	smov.u32 s24;
	s28 =	sadd.s32 $0x10, s24  }
0x61: {  	[tilespmem:s4], [sflag:$0x2] =	stream.linear.gather [hbm4b:s25+s4], $0x80, $0x38;
	[tilespmem:$0x18100] =	vst v63  }
0x62: {  	p1 =	seq.s32 s24, $0x660;
	_ =	swait.ge [sflag:s19], $0x80  }
0x63: {  	[sflag:s19] =	ssyncset.done $0x0  }
0x64: {  	s24 =	sadd.s32 s23, s16;
	s23 =	smov.u32 s26;
	[sflag:s19] =	ssyncadd.s32 $0xFFFFFF80  }
0x65: {  	[tilespmem:s20], [sflag:$0x2] =	stream.linear.gather [hbm4b:s24+s4], $0x80, $0x38;
	[tilespmem:$0x18100] =	vst v63  }
0x66: {  	_ =	swait.ge [sflag:s19], $0x80  }
0x67: {  	[sflag:s19] =	ssyncset.done $0x0  }
0x68: {  	[sflag:s19] =	ssyncadd.s32 $0xFFFFFF80  }
0x69: {  	[tilespmem:s18], [sflag:$0x1] =	stream.indirect.gather [hbm4b:s5+s20], $0x80, s4, s20, $0xb8;
	[tilespmem:$0x18100] =	vst v63  }
0x6a: {  	_ =	swait.ge [sflag:s21], $0x4000  }
.Ltmp4:
0x6b: {  	[sflag:s21] =	ssyncset.done $0x0;
	(pc) =	sbr.rel @!p1 .LBB2_5-.Ltmp4, $4  }
0x6c: {  	[sflag:s21] =	ssyncadd.s32 $0xFFFFC000  }
0x6d: {  	[spmem:s3] =	stream.indirect.scatter.add.f32 [tilespmem:s18], [sflag:$0x2], $0x80, s20, s20, $0xb8;
	[tilespmem:$0x18100] =	vst v63  }
0x6e: {  	_ =	swait.ge [sflag:s19], $0x4000  }
0x6f: {  	s24 =	smov.u32 s28;
	[sflag:s19] =	ssyncset.done $0x0  }
0x70: {  	s24 =	sadd.s32 s23, s17;
	[sflag:s19] =	ssyncadd.s32 $0xFFFFC000  }
0x71: {  	[tilespmem:s4], [sflag:$0x2] =	stream.linear.gather [hbm4b:s24+s4], $0x80, $0x38;
	[tilespmem:$0x18100] =	vst v63  }
0x72: {  	_ =	swait.ge [sflag:s19], $0x80  }
0x73: {  	[sflag:s19] =	ssyncset.done $0x0  }
0x74: {  	s31 =	sadd.s32 s23, s16;
	[sflag:s19] =	ssyncadd.s32 $0xFFFFFF80  }
0x75: {  	[tilespmem:s20], [sflag:$0x2] =	stream.linear.gather [hbm4b:s31+s4], $0x80, $0x38;
	[tilespmem:$0x18100] =	vst v63  }
0x76: {  	_ =	swait.ge [sflag:s19], $0x80  }
0x77: {  	[sflag:s19] =	ssyncset.done $0x0  }
0x78: {  	[sflag:s19] =	ssyncadd.s32 $0xFFFFFF80  }
0x79: {  	[tilespmem:s18], [sflag:$0x1] =	stream.indirect.gather [hbm4b:s5+s20], $0x80, s4, s20, $0xb8;
	[tilespmem:$0x18100] =	vst v63  }
0x7a: {  	_ =	swait.ge [sflag:s21], $0x4000  }
0x7b: {  	[sflag:s21] =	ssyncset.done $0x0  }
.Ltmp5:
0x7c: {  	[sflag:s21] =	ssyncadd.s32 $0xFFFFC000;
	(pc) =	sbr.rel .LBB2_10-.Ltmp5, $4  }
0x7d: {  	[spmem:s3] =	stream.indirect.scatter.add.f32 [tilespmem:s18], [sflag:$0x2], $0x80, s20, s20, $0xb8;
	[tilespmem:$0x18100] =	vst v63  }
0x7e: {  	_ =	swait.ge [sflag:s19], $0x4000  }
0x7f: {  	[sflag:s19] =	ssyncset.done $0x0  }
0x80: {  	s23 =	smov.u32 s1;
	[sflag:s19] =	ssyncadd.s32 $0xFFFFC000  }
.LBB2_7:
0x81: {  	s23 =	sadd.s32 $0x0, s15  }
0x82: {  	[tilespmem:s4], [sflag:$0x2] =	stream.linear.gather [hbm4b:s23+s4], $0x80, $0x38;
	[tilespmem:$0x18100] =	vst v63  }
0x83: {  	_ =	swait.ge [sflag:s19], $0x80  }
0x84: {  	[sflag:s19] =	ssyncset.done $0x0  }
0x85: {  	s31 =	sadd.s32 $0x0, s14;
	[sflag:s19] =	ssyncadd.s32 $0xFFFFFF80  }
0x86: {  	[tilespmem:s20], [sflag:$0x2] =	stream.linear.gather [hbm4b:s31+s4], $0x80, $0x38;
	[tilespmem:$0x18100] =	vst v63  }
0x87: {  	_ =	swait.ge [sflag:s19], $0x80  }
0x88: {  	[sflag:s19] =	ssyncset.done $0x0  }
0x89: {  	[sflag:s19] =	ssyncadd.s32 $0xFFFFFF80  }
0x8a: {  	[tilespmem:s18], [sflag:$0x1] =	stream.indirect.gather [hbm4b:s5+s20], $0x80, s4, s20, $0xb8;
	[tilespmem:$0x18100] =	vst v63  }
0x8b: {  	_ =	swait.ge [sflag:s21], $0x4000  }
0x8c: {  	[sflag:s21] =	ssyncset.done $0x0  }
0x8d: {  	[sflag:s21] =	ssyncadd.s32 $0xFFFFC000  }
0x8e: {  	[spmem:s3] =	stream.indirect.scatter.add.f32 [tilespmem:s18], [sflag:$0x2], $0x80, s20, s20, $0xb8;
	[tilespmem:$0x18100] =	vst v63  }
0x8f: {  	_ =	swait.ge [sflag:s19], $0x4000  }
0x90: {  	s24 =	simm.s32 $0x20;
	s23 =	simm.s32 $0x10;
	[sflag:s19] =	ssyncset.done $0x0  }
.LBB2_8:
0x91: {  	s25 =	sadd.s32 s23, s15  }
0x92: {  	[sflag:s19] =	ssyncadd.s32 $0xFFFFC000;
	s26 =	smov.u32 s24;
	s28 =	sadd.s32 $0x10, s24  }
0x93: {  	[tilespmem:s4], [sflag:$0x2] =	stream.linear.gather [hbm4b:s25+s4], $0x80, $0x38;
	[tilespmem:$0x18100] =	vst v63  }
0x94: {  	p1 =	sne.s32 s24, $0x360;
	_ =	swait.ge [sflag:s19], $0x80  }
0x95: {  	[sflag:s19] =	ssyncset.done $0x0  }
0x96: {  	s24 =	sadd.s32 s23, s14;
	s23 =	smov.u32 s26;
	[sflag:s19] =	ssyncadd.s32 $0xFFFFFF80  }
0x97: {  	[tilespmem:s20], [sflag:$0x2] =	stream.linear.gather [hbm4b:s24+s4], $0x80, $0x38;
	[tilespmem:$0x18100] =	vst v63  }
0x98: {  	_ =	swait.ge [sflag:s19], $0x80  }
0x99: {  	[sflag:s19] =	ssyncset.done $0x0  }
0x9a: {  	[sflag:s19] =	ssyncadd.s32 $0xFFFFFF80  }
0x9b: {  	[tilespmem:s18], [sflag:$0x1] =	stream.indirect.gather [hbm4b:s5+s20], $0x80, s4, s20, $0xb8;
	[tilespmem:$0x18100] =	vst v63  }
0x9c: {  	_ =	swait.ge [sflag:s21], $0x4000  }
.Ltmp6:
0x9d: {  	[sflag:s21] =	ssyncset.done $0x0;
	(pc) =	sbr.rel @p1 .LBB2_8-.Ltmp6, $4  }
0x9e: {  	[sflag:s21] =	ssyncadd.s32 $0xFFFFC000  }
0x9f: {  	[spmem:s3] =	stream.indirect.scatter.add.f32 [tilespmem:s18], [sflag:$0x2], $0x80, s20, s20, $0xb8;
	[tilespmem:$0x18100] =	vst v63  }
0xa0: {  	_ =	swait.ge [sflag:s19], $0x4000  }
0xa1: {  	s24 =	smov.u32 s28;
	[sflag:s19] =	ssyncset.done $0x0  }
.Ltmp7:
0xa2: {  	_ = 	snop;
	(pc) =	sbr.rel .LBB2_9-.Ltmp7, $1  }
0xa3: {  	_ =	sdelay $0x3  }
.LBB2_11:
0xa4: {  	_ =	sfence.sel $0x180000  }
0xa5: {  	[bflag:$0x0] =	sbarrier.arrive $0xFFFF  }
0xa6: {  	p0 =	sne.s32 s2, $0x0;
	_ =	strace $0x9000004D  }
0xa7: {  	s0 =	sadd.s32 @!p0 $0x100000, s0;
	[bflag:$0x2] =	sbarrier.arrive $0xFFFF  }
0xa8: {  	[sflag:s0] =	ssyncadd.tile.s32 @!p0 $0x1;
	_ =	shalt  }
.Lfunc_end2:
_tile_overlayer_lowered:
.L_overlay_start_2:
0xa9: {  	(tag) =	ssettag $0x2  }
0xaa: {  	s0 =	rddreg [dreg:$0x0];
	s2 =	stileid.u32  }
0xab: {  	s1 =	rddreg [dreg:$0x1];
	p0 =	sne.s32 s2, $0x0  }
0xac: {  	s3 =	rddreg [dreg:$0x2];
	[bflag:$0x3] =	sbarrier.arrive $0xFFFF;
	s2 =	simm.s32 @!p0 $0x1C02  }
0xad: {  	[timem:s3], [sflag:s2] =	dma.local @!p0 [hbm:s0], s1  }
0xae: {  	s0 =	simm.s32 @!p0 $0x2  }
0xaf: {  	_ =	swait.ge @!p0 [sflag:s0], s1  }
0xb0: {  	s1 =	ssub.s32 @!p0 $0x0, s1;
	[sflag:s0] =	ssyncset.done @!p0 $0x0  }
0xb1: {  	[sflag:s0] =	ssyncadd.s32 @!p0 s1  }
0xb2: {  	[bflag:$0x3] =	sbarrier.arrive $0xFFFF  }
0xb3: {  	_ =	shalt  }

// kernel: kernel.8.cloned.1.call-start
scs
__scs_entry_jumppad:
0x0: {  	(pc) =	sbr.rel $0x88, $3  }
0x1: {  	(tag) =	ssettag $0x0;
	lr =	simm.s32 $0x1  }
0x2: {  	[smem:$0x3F9B] =	sst lr;
	_ =	strace $0xD0000000  }
0x3: {  	_ = 	snop  }
0x4: {  	_ = 	snop  }
0x5: {  	_ = 	snop  }
0x6: {  	_ = 	snop  }
0x7: {  	_ = 	snop  }
__scs_overlays_trampoline_lowered:
0x8: {  	[smem:$0x3FAA] =	sst s0  }
0x9: {  	[smem:$0x3FAB] =	sst s1  }
0xa: {  	[smem:$0x3FAC] =	sst s2  }
0xb: {  	[smem:$0x3FAD] =	sst s3  }
0xc: {  	[smem:$0x3FAE] =	sst s4  }
0xd: {  	[smem:$0x3FAF] =	sst s5  }
0xe: {  	[smem:$0x3FB0] =	sst s6  }
0xf: {  	[smem:$0x3FB1] =	sst s7  }
0x10: {  	[smem:$0x3FB2] =	sst s8  }
0x11: {  	[smem:$0x3FB3] =	sst s9;
	s0 =	simm.s32 @!p0 $0x0  }
0x12: {  	s1 =	sld [smem:$0x3F99];
	s0 =	simm.s32 @p0 $0x1  }
0x13: {  	[smem:$0x3FB4] =	sst s0;
	s0 =	simm.s32 @!p1 $0x0  }
0x14: {  	s2 =	sld [smem:$0x3F98];
	s0 =	simm.s32 @p1 $0x1  }
0x15: {  	[smem:$0x3FB5] =	sst s0;
	s0 =	simm.s32 @!p2 $0x0  }
0x16: {  	s3 =	sld [smem:$0x3FDB];
	s0 =	simm.s32 @p2 $0x1  }
0x17: {  	s4 =	simm.s32 $0x1BF5;
	[smem:$0x3FB7] =	sst s0  }
0x18: {  	s0 =	sld [smem:$0x3F9A];
	_ =	swait.ge [sflag:s4], $0x0  }
0x19: {  	s7 =	sld [smem:$0x3F9B]  }
0x1a: {  	s8 =	sadd.s32 $0xFFFFE003, lr  }
0x1b: {  	s9 =	sadd.s32 $0xFFFFFEF7, lr;
	s5 =	simm.s32 $0xFFFFFFFF;
	p2 =	slt.u32 s8, $0xFFFFF086  }
0x1c: {  	p1 =	slt.u32 s9, $0xF7A;
	s5 =	simm.s32 @!p2 $0x0  }
0x1d: {  	s5 =	simm.s32 @p1 $0x1;
	p0 =	seq.s32 s7, s2  }
0x1e: {  	s7 =	smul.u32 @!p0 $0xF7A, s2;
	p2 =	seq.s32 @!p0 s5, $0x0  }
0x1f: {  	s9 =	smul.u32 $0xF7A, s1;
	s8 =	simm.s32 @!p0 $0x1BF5;
	p2 =	por !p2, p0  }
0x20: {  	[sflag:s8] =	ssyncset.s32 @!p0 $0xFFFFF086;
	s6 =	sadd.s32 @!p0 s3, s7;
	s7 =	simm.s32 @!p0 $0x108  }
0x21: {  	s3 =	sadd.s32 s3, s9;
	s6 =	sadd.s32 @!p0 $0x88, s6;
	s7 =	simm.s32 @p2 $0x1082  }
0x22: {  	[simem:s7], [sflag:s8] =	dma.local @!p0 [hbm:s6], $0xF7A  }
0x23: {  	s9 =	sor.u32 $0xD0000000, s2;
	s6 =	simm.s32 $0x108;
	_ =	swait.ge @!p0 [sflag:s8], $0x0  }
0x24: {  	s3 =	sadd.s32 $0x88, s3;
	s6 =	simm.s32 @!p1 $0x1082;
	[sflag:s4] =	ssyncset.s32 $0xFFFFF086  }
0x25: {  	[simem:s6], [sflag:s4] =	dma.local [hbm:s3], $0xF7A  }
0x26: {  	[smem:$0x3F9B] =	sst s1;
	(tag) =	ssettag s2;
	_ =	strace s9  }
0x27: {  	s1 =	sld [smem:$0x3FAB]  }
0x28: {  	s2 =	sld [smem:$0x3FAC]  }
0x29: {  	s4 =	sld [smem:$0x3FAE]  }
0x2a: {  	p0 =	seq.s32 s5, $0x0;
	s5 =	sld [smem:$0x3FAF]  }
0x2b: {  	s6 =	sld [smem:$0x3FB0]  }
0x2c: {  	s7 =	sld [smem:$0x3FB1]  }
0x2d: {  	s3 =	simm.s32 $0x108;
	s8 =	sld [smem:$0x3FB2]  }
0x2e: {  	s3 =	simm.s32 @!p0 $0x1082;
	s9 =	sld [smem:$0x3FB3]  }
0x2f: {  	lr =	sadd.s32 s0, s3;
	s0 =	sld [smem:$0x3FAA]  }
0x30: {  	s3 =	sld [smem:$0x3FAD]  }
0x31: {  	[smem:$0x3FB6] =	sst s10  }
0x32: {  	s10 =	sld [smem:$0x3FB4];
	_ =	sdelay $0x3  }
0x33: {  	p0 =	seq.s32 s10, $0x1;
	s10 =	sld [smem:$0x3FB6];
	_ =	sdelay $0x3  }
0x34: {  	[smem:$0x3FB6] =	sst s10  }
0x35: {  	s10 =	sld [smem:$0x3FB5];
	_ =	sdelay $0x3  }
0x36: {  	p1 =	seq.s32 s10, $0x1;
	s10 =	sld [smem:$0x3FB6];
	_ =	sdelay $0x3  }
0x37: {  	[smem:$0x3FB6] =	sst s10  }
0x38: {  	s10 =	sld [smem:$0x3FB7]  }
0x39: {  	_ = 	snop;
	(pc) =	sbr.ind lr, $3  }
0x3a: {  	_ = 	snop  }
0x3b: {  	_ = 	snop  }
0x3c: {  	p2 =	seq.s32 s10, $0x1;
	s10 =	sld [smem:$0x3FB6]  }
0x3d: {  	_ =	shalt  }
0x3e: {  	_ =	shalt  }
0x3f: {  	_ =	shalt  }
0x40: {  	_ =	shalt  }
0x41: {  	_ =	shalt  }
0x42: {  	_ =	shalt  }
0x43: {  	_ =	shalt  }
0x44: {  	_ =	shalt  }
0x45: {  	_ =	shalt  }
0x46: {  	_ =	shalt  }
0x47: {  	_ =	shalt  }
0x48: {  	_ =	shalt  }
0x49: {  	_ =	shalt  }
0x4a: {  	_ =	shalt  }
0x4b: {  	_ =	shalt  }
0x4c: {  	_ =	shalt  }
0x4d: {  	_ =	shalt  }
0x4e: {  	_ =	shalt  }
0x4f: {  	_ =	shalt  }
0x50: {  	_ =	shalt  }
0x51: {  	_ =	shalt  }
0x52: {  	_ =	shalt  }
0x53: {  	_ =	shalt  }
0x54: {  	_ =	shalt  }
0x55: {  	_ =	shalt  }
0x56: {  	_ =	shalt  }
0x57: {  	_ =	shalt  }
0x58: {  	_ =	shalt  }
0x59: {  	_ =	shalt  }
0x5a: {  	_ =	shalt  }
0x5b: {  	_ =	shalt  }
0x5c: {  	_ =	shalt  }
0x5d: {  	_ =	shalt  }
0x5e: {  	_ =	shalt  }
0x5f: {  	_ =	shalt  }
0x60: {  	_ =	shalt  }
0x61: {  	_ =	shalt  }
0x62: {  	_ =	shalt  }
0x63: {  	_ =	shalt  }
0x64: {  	_ =	shalt  }
0x65: {  	_ =	shalt  }
0x66: {  	_ =	shalt  }
0x67: {  	_ =	shalt  }
0x68: {  	_ =	shalt  }
0x69: {  	_ =	shalt  }
0x6a: {  	_ =	shalt  }
0x6b: {  	_ =	shalt  }
0x6c: {  	_ =	shalt  }
0x6d: {  	_ =	shalt  }
0x6e: {  	_ =	shalt  }
0x6f: {  	_ =	shalt  }
0x70: {  	_ =	shalt  }
0x71: {  	_ =	shalt  }
0x72: {  	_ =	shalt  }
0x73: {  	_ =	shalt  }
0x74: {  	_ =	shalt  }
0x75: {  	_ =	shalt  }
0x76: {  	_ =	shalt  }
0x77: {  	_ =	shalt  }
0x78: {  	_ =	shalt  }
0x79: {  	_ =	shalt  }
0x7a: {  	_ =	shalt  }
0x7b: {  	_ =	shalt  }
0x7c: {  	_ =	shalt  }
0x7d: {  	_ =	shalt  }
0x7e: {  	_ =	shalt  }
0x7f: {  	_ =	shalt  }
0x80: {  	_ =	shalt  }
0x81: {  	_ =	shalt  }
0x82: {  	_ =	shalt  }
0x83: {  	_ =	shalt  }
0x84: {  	_ =	shalt  }
0x85: {  	_ =	shalt  }
0x86: {  	_ =	shalt  }
0x87: {  	_ =	shalt  }
.Lfunc_end0:
.L_simem_size_0:
called_computation_lowered:
.L_overlay_start_0:
0x88: {  	s2 =	sld [smem:$0x3FD9]  }
0x89: {  	s3 =	sld [smem:$0x3FFE];
	_ =	sdelay $0x1  }
0x8a: {  	s1 =	srdreg.scid  }
0x8b: {  	s0 =	sand.u32 $0x1, s1  }
0x8c: {  	s16 =	sshll.u32 s0, $0xA;
	s2 =	sadd.s32 s3, s2  }
0x8d: {  	s2 =	sadd.s32 s2, s16  }
0x8e: {  	[smem:$0x3FC2] =	sst s2  }
0x8f: {  	_ = 	snop  }
0x90: {  	(tm) =	ssettm $0x1  }
0x91: {  	s17 =	sld [smem:$0x3FFB];
	_ =	sdelay $0x3  }
0x92: {  	_ =	strace s17  }
0x93: {  	s2 =	sld [smem:$0x3FFC];
	_ =	sdelay $0x3  }
0x94: {  	_ =	strace s2  }
0x95: {  	s2 =	sld [smem:$0x3FFD];
	_ =	sdelay $0x3  }
0x96: {  	_ =	strace s2  }
0x97: {  	_ =	strace $0x8FFFFFFF  }
0x98: {  	s18 =	sld [smem:$0x3FDB];
	_ =	sdelay $0x1  }
0x99: {  	s19 =	simm.s32 $_scs_section_size  }
0x9a: {  	s4 =	simm.s32 $_size__tile_overlayer_lowered;
	s5 =	simm.s32 $_tile_overlayer_lowered  }
0x9b: {  	s22 =	simm.s32 $0x1BFF;
	s21 =	sshll.u32 s5, $0x1;
	s2 =	sadd.s32 s19, s18  }
0x9c: {  	s6 =	simm.s32 $0x0;
	s20 =	sshll.u32 s4, $0x1;
	s4 =	sadd.s32 s21, s2  }
0x9d: {  	[timem:s6], [sflag:s22] =	dma.local [hbm:s4], s20  }
0x9e: {  	_ =	swait.ge [sflag:s22], s20  }
0x9f: {  	s3 =	ssub.s32 $0x0, s20;
	[sflag:s22] =	ssyncset.done $0x0  }
0xa0: {  	[sflag:s22] =	ssyncadd.s32 s3;
	_ =	sdelay $0x1  }
0xa1: {  	s23 =	simm.s32 $0x1B8B  }
0xa2: {  	_ =	swait.ge [sflag:s23], $0x1  }
0xa3: {  	[sflag:s23] =	ssyncset.done $0x0  }
0xa4: {  	s25 =	simm.s32 $0x1B8E;
	s24 =	sld [smem:$0x3FFE];
	[sflag:s23] =	ssyncadd.s32 $0xFFFFFFFF  }
0xa5: {  	s26 =	simm.s32 $execute0_lowered;
	[smem:$0x3FD2] =	sst s25  }
0xa6: {  	s4 =	sshll.u32 s26, $0x1;
	_ =	strace $0x80000046;
	[dreg:$0x1] =	wrdreg $0xFFFFFFFF  }
0xa7: {  	s28 =	simm.s32 $_size_execute0_lowered;
	s2 =	sadd.s32 s2, s4;
	[dreg:$0x0] =	wrdreg $0x0  }
0xa8: {  	s4 =	sshll.u32 s28, $0x1;
	[dreg:$0x2] =	wrdreg s2  }
0xa9: {  	[dreg:$0x3] =	wrdreg s4  }
0xaa: {  	[dreg:$0x4] =	wrdreg $0xC0  }
0xab: {  	_ =	task [dreg:s6], $0x5FFFF  }
0xac: {  	[dreg:$0x1] =	wrdreg $0xFFFFFFFF  }
0xad: {  	[dreg:$0x0] =	wrdreg $0x60  }
0xae: {  	[dreg:$0x2] =	wrdreg s24  }
0xaf: {  	[dreg:$0x3] =	wrdreg $0x40800  }
0xb0: {  	[dreg:$0x4] =	wrdreg $0x9  }
0xb1: {  	_ =	task.clear_ibuf [dreg:s6], $0x5FFFF;
	_ =	strace $0x90000046  }
0xb2: {  	s29 =	simm.s32 $0x9;
	_ =	strace $0x80000048  }
0xb3: {  	_ =	swait.ge [sflag:s29], $0x1  }
0xb4: {  	[sflag:s29] =	ssyncadd.s32 $0xFFFFFFFF  }
0xb5: {  	_ =	strace $0x90000048  }
0xb6: {  	_ =	sfence  }
0xb7: {  	s30 =	sld [smem:$0x0];
	_ =	sdelay $0x2  }
0xb8: {  	s31 =	sshll.u32 s1, $0xD;
	s1 =	sshrl.u32 s1, $0x2  }
0xb9: {  	s3 =	sand.u32 $0x4000, s31;
	s1 =	sadd.s32 s1, s30  }
0xba: {  	s0 =	sor.u32 s3, s0;
	s1 =	sshll.u32 s1, $0x11  }
0xbb: {  	s0 =	sor.u32 s1, s0  }
0xbc: {  	s0 =	sadd.s32 $0x8F2B, s0  }
0xbd: {  	[sflag:s0] =	ssyncadd.remote.s32 $0x1  }
0xbe: {  	_ =	sfence.sel $0xFFFF  }
0xbf: {  	[dreg:$0x0] =	wrdreg $0xFFFFFFFF;
	(pc) =	sbr.abs _section_cstart, $3  }
0xc0: {  	[dreg:$0x1] =	wrdreg $0xFFFFFFFF  }
0xc1: {  	_ =	task.clear_ibuf [dreg:s6], $0x2FFFF;
	_ =	strace $0x9FFFFFFF  }
0xc2: {  	(tm) =	ssettm $0x7FFFFFFF  }
0xc3: {  	_ =	shalt  }
tec
execute0_lowered:
.L_overlay_start_1:
0x0: {  	(tag) =	ssettag $0x1  }
0x1: {  	s9 =	rddreg [dreg:$0x0]  }
0x2: {  	s2 =	rddreg [dreg:$0x1]  }
0x3: {  	s0 =	rddreg [dreg:$0x2];
	s1 =	stileid.u32  }
0x4: {  	s4 =	srdreg.scid;
	s3 =	simm.s32 $0x0;
	s29 =	smul.u32 $0x50000, s1  }
0x5: {  	s12 =	simm.s32 $0x35200;
	s16 =	simm.s32 $0x0;
	s13 =	smul.u32 $0x4F0, s1  }
0x6: {  	s7 =	sand.u32 $0x1, s4;
	[smem:$0x7FF] =	sst s3;
	s14 =	smul.u32 $0x2800, s1  }
0x7: {  	s31 =	sshll.u32 s1, $0x6;
	s5 =	smul.u32 $0x4F00, s7;
	_ =	strace $0x80000047  }
0x8: {  	s6 =	ssub.s32 $0x2, s7;
	p0 =	seq.s32 s7, $0x1;
	s4 =	sshrl.u32 s29, $0x2  }
0x9: {  	s30 =	sshrl.u32 s6, $0x1;
	s12 =	simm.s32 @!p0 $0xD200;
	s10 =	sadd.s32 s5, s9  }
0xa: {  	s4 =	sadd.s32 s4, s2;
	s11 =	ssub.s32 s6, s30;
	s12 =	sadd.s32 s12, s9  }
0xb: {  	s5 =	sadd.s32 $0x4000, s4;
	s6 =	sadd.s32 $0x8000, s4;
	s7 =	sadd.s32 $0xC000, s4  }
0xc: {  	s8 =	sadd.s32 $0x10000, s4;
	s13 =	sadd.s32 s13, s10;
	s9 =	smax.u32 s11, $0x1  }
0xd: {  	s10 =	sadd.s32 s12, s14;
	s12 =	simm.s32 $0x80;
	s14 =	sor.u32 $0x1C01, s31  }
0xe: {  	v0 =	vimm.f32 $0.0e+00;
	v1 =	vimm.f32 $1.000000000e+00;
	s15 =	sshrl.u32 s4, $0x3;
	s11 =	sadd.s32 $0x3400, s13;
	s13 =	simm.s32 $0x1  }
.LBB2_1:
0xf: {  	s17 =	simm.s32 $0x200;
	s18 =	simm.s32 $0x0  }
.LBB2_2:
0x10: {  	p0 =	sne.s32 s17, $0xFE00;
	[tilespmem:s18+$0x80] =	vst v0;
	s18 =	smov.u32 s17;
	s17 =	sadd.s32 $0x200, s17  }
.Ltmp0:
0x11: {  	(pc) =	sbr.rel @p0 .LBB2_2-.Ltmp0, $2  }
0x12: {  	_ =	sdelay $0x2  }
0x13: {  	s18 =	sshra.s32 s18, $0x2  }
0x14: {  	[tilespmem:s18+$0x80] =	vst v0  }
0x15: {  	[spmem:s4] =	stream.linear.scatter [tilespmem:s12], [sflag:$0x1], $0x4000, $0x38;
	[tilespmem:$0x6880] =	vst v63  }
0x16: {  	_ =	swait.ge [sflag:s13], $0x4000  }
0x17: {  	[sflag:s13] =	ssyncset.done $0x0  }
0x18: {  	[sflag:s13] =	ssyncadd.s32 $0xFFFFC000  }
0x19: {  	[spmem:s5] =	stream.linear.scatter [tilespmem:s12], [sflag:$0x1], $0x4000, $0x38;
	[tilespmem:$0x6880] =	vst v63  }
0x1a: {  	_ =	swait.ge [sflag:s13], $0x4000  }
0x1b: {  	[sflag:s13] =	ssyncset.done $0x0  }
0x1c: {  	[sflag:s13] =	ssyncadd.s32 $0xFFFFC000  }
0x1d: {  	[spmem:s6] =	stream.linear.scatter [tilespmem:s12], [sflag:$0x1], $0x4000, $0x38;
	[tilespmem:$0x6880] =	vst v63  }
0x1e: {  	_ =	swait.ge [sflag:s13], $0x4000  }
0x1f: {  	[sflag:s13] =	ssyncset.done $0x0  }
0x20: {  	[sflag:s13] =	ssyncadd.s32 $0xFFFFC000  }
0x21: {  	[spmem:s7] =	stream.linear.scatter [tilespmem:s12], [sflag:$0x1], $0x4000, $0x38;
	[tilespmem:$0x6880] =	vst v63  }
0x22: {  	_ =	swait.ge [sflag:s13], $0x4000  }
0x23: {  	[sflag:s13] =	ssyncset.done $0x0  }
0x24: {  	[sflag:s13] =	ssyncadd.s32 $0xFFFFC000  }
0x25: {  	[spmem:s8] =	stream.linear.scatter [tilespmem:s12], [sflag:$0x1], $0x4000, $0x38;
	[tilespmem:$0x6880] =	vst v63  }
0x26: {  	_ =	swait.ge [sflag:s13], $0x4000  }
0x27: {  	[sflag:s13] =	ssyncset.done $0x0  }
0x28: {  	s17 =	simm.s32 $0x200;
	s18 =	simm.s32 $0x0;
	[sflag:s13] =	ssyncadd.s32 $0xFFFFC000  }
.LBB2_4:
0x29: {  	p0 =	sne.s32 s17, $0xFE00;
	[tilespmem:s18+$0x80] =	vst v1;
	s18 =	smov.u32 s17;
	s17 =	sadd.s32 $0x200, s17  }
.Ltmp1:
0x2a: {  	(pc) =	sbr.rel @p0 .LBB2_4-.Ltmp1, $2  }
0x2b: {  	_ =	sdelay $0x2  }
0x2c: {  	s18 =	sshra.s32 s18, $0x2  }
0x2d: {  	[tilespmem:s18+$0x80] =	vst v1  }
0x2e: {  	s17 =	sadd.s32 $0x0, s11;
	[bflag:$0x0] =	sbarrier.arrive $0xFFFF  }
0x2f: {  	[tilespmem:s3], [sflag:$0x1] =	stream.linear.gather [hbm4b:s17+s3], $0x80, $0x38;
	[tilespmem:$0x6880] =	vst v63  }
0x30: {  	_ =	swait.ge [sflag:s13], $0x80  }
0x31: {  	[sflag:s13] =	ssyncset.done $0x0  }
0x32: {  	[sflag:s13] =	ssyncadd.s32 $0xFFFFFF80  }
0x33: {  	[spmem:s2] =	stream.indirect.scatter.add.f32 [tilespmem:s12], [sflag:$0x1], $0x10, s3, s12, $0xb8;
	[tilespmem:$0x6880] =	vst v63  }
0x34: {  	_ =	swait.ge [sflag:s13], $0x800  }
0x35: {  	s18 =	simm.s32 $0x20;
	s17 =	simm.s32 $0x10;
	[sflag:s13] =	ssyncset.done $0x0  }
.LBB2_6:
0x36: {  	s19 =	sadd.s32 s17, s11  }
0x37: {  	[sflag:s13] =	ssyncadd.s32 $0xFFFFF800;
	s17 =	smov.u32 s18;
	s20 =	sadd.s32 $0x10, s18  }
0x38: {  	[tilespmem:s3], [sflag:$0x1] =	stream.linear.gather [hbm4b:s19+s3], $0x80, $0x38;
	[tilespmem:$0x6880] =	vst v63  }
0x39: {  	p0 =	sne.s32 s18, $0x4E0;
	_ =	swait.ge [sflag:s13], $0x80  }
.Ltmp2:
0x3a: {  	[sflag:s13] =	ssyncset.done $0x0;
	(pc) =	sbr.rel @p0 .LBB2_6-.Ltmp2, $4  }
0x3b: {  	[sflag:s13] =	ssyncadd.s32 $0xFFFFFF80  }
0x3c: {  	[spmem:s2] =	stream.indirect.scatter.add.f32 [tilespmem:s12], [sflag:$0x1], $0x10, s3, s12, $0xb8;
	[tilespmem:$0x6880] =	vst v63  }
0x3d: {  	_ =	swait.ge [sflag:s13], $0x800  }
0x3e: {  	s18 =	smov.u32 s20;
	[sflag:s13] =	ssyncset.done $0x0  }
0x3f: {  	s17 =	sadd.s32 s17, s11;
	[sflag:s13] =	ssyncadd.s32 $0xFFFFF800  }
0x40: {  	[tilespmem:s3], [sflag:$0x1] =	stream.linear.gather [hbm4b:s17+s3], $0x80, $0x38;
	[tilespmem:$0x6880] =	vst v63  }
0x41: {  	_ =	swait.ge [sflag:s13], $0x80  }
0x42: {  	[sflag:s13] =	ssyncset.done $0x0  }
0x43: {  	[sflag:s13] =	ssyncadd.s32 $0xFFFFFF80  }
0x44: {  	[spmem:s2] =	stream.indirect.scatter.add.f32 [tilespmem:s12], [sflag:$0x1], $0x10, s3, s12, $0xb8;
	[tilespmem:$0x6880] =	vst v63  }
0x45: {  	_ =	swait.ge [sflag:s13], $0x800  }
0x46: {  	s16 =	sadd.s32 $0x1, s16;
	[sflag:s13] =	ssyncset.done $0x0  }
0x47: {  	p0 =	sne.s32 s16, s9;
	[sflag:s13] =	ssyncadd.s32 $0xFFFFF800  }
.Ltmp3:
0x48: {  	[bflag:$0x0] =	sbarrier.arrive $0xFFFF;
	(pc) =	sbr.rel @p0 .LBB2_1-.Ltmp3, $4  }
0x49: {  	[hbm:s10], [sflag:s14] =	dma.local [spmem:s15], $0x2800  }
0x4a: {  	_ =	swait.ge [sflag:s13], $0x2800  }
0x4b: {  	[sflag:s13] =	ssyncset.done $0x0  }
0x4c: {  	[sflag:s13] =	ssyncadd.s32 $0xFFFFD800  }
0x4d: {  	_ =	sfence.sel $0x180000  }
0x4e: {  	[bflag:$0x0] =	sbarrier.arrive $0xFFFF  }
0x4f: {  	p0 =	sne.s32 s1, $0x0;
	_ =	strace $0x90000047  }
0x50: {  	s0 =	sadd.s32 @!p0 $0x100000, s0;
	[bflag:$0x2] =	sbarrier.arrive $0xFFFF  }
0x51: {  	[sflag:s0] =	ssyncadd.tile.s32 @!p0 $0x1;
	_ =	shalt  }
.Lfunc_end2:
_tile_overlayer_lowered:
.L_overlay_start_2:
0x52: {  	(tag) =	ssettag $0x2  }
0x53: {  	s0 =	rddreg [dreg:$0x0];
	s2 =	stileid.u32  }
0x54: {  	s1 =	rddreg [dreg:$0x1];
	p0 =	sne.s32 s2, $0x0  }
0x55: {  	s3 =	rddreg [dreg:$0x2];
	[bflag:$0x3] =	sbarrier.arrive $0xFFFF;
	s2 =	simm.s32 @!p0 $0x1C01  }
0x56: {  	[timem:s3], [sflag:s2] =	dma.local @!p0 [hbm:s0], s1  }
0x57: {  	s0 =	simm.s32 @!p0 $0x1  }
0x58: {  	_ =	swait.ge @!p0 [sflag:s0], s1  }
0x59: {  	s1 =	ssub.s32 @!p0 $0x0, s1;
	[sflag:s0] =	ssyncset.done @!p0 $0x0  }
0x5a: {  	[sflag:s0] =	ssyncadd.s32 @!p0 s1  }
0x5b: {  	[bflag:$0x3] =	sbarrier.arrive $0xFFFF  }
0x5c: {  	_ =	shalt  }

</sc_bundles>
